<compile_context>
chip_gen: v7x
topology: tpu7x:2x2x1
jax: 0.10.2.dev20260603
libtpu: 0.0.44.dev20260713+nightly
codegen_flags: <defaults>
</compile_context>

<pallas_src>
import jax
import jax.numpy as jnp
from jax import lax
from jax.experimental import pallas as pl
from jax.experimental.pallas import tpu as pltpu
from jax.experimental.pallas import tpu_sc as plsc

N_NODES = 10000
N_EDGES = 320000
D = 128

NC = 2
NS = 16
NW = NC * NS
E_PER_TILE = N_EDGES // NW
CHUNK = 64
QD = 4
N_CHUNKS = 160
E_PAD = N_CHUNKS * CHUNK
NB = N_CHUNKS // QD
NM = NB // 2
N_PAD = 10240
ROWS_PER_TILE = N_PAD // NS


def _sc_body(feat_hbm, idx_hbm, zeros_hbm, out_hbm,
             idxa, idxb, r0, r1, r2, r3, acc,
             sia, sib, sg0, sg1, sg2, sg3, ss0, ss1, ss2, ss3):
    cid = lax.axis_index("c")
    sid = lax.axis_index("s")
    wid = cid * NS + sid
    row_base = sid * ROWS_PER_TILE

    rows = (r0, r1, r2, r3)
    sg = (sg0, sg1, sg2, sg3)
    ss = (ss0, ss1, ss2, ss3)

    pltpu.async_copy(idx_hbm.at[wid, 0, 0], idxa, sia)
    pltpu.sync_copy(zeros_hbm, acc.at[pl.ds(row_base, ROWS_PER_TILE)])
    plsc.subcore_barrier()

    def half(m, h, idxq, si_this, idx_pref, si_pref, last):
        pltpu.make_async_copy(idx_hbm.at[wid, m, h], idxq, si_this).wait()
        gd = [pltpu.async_copy(feat_hbm.at[idxq.at[q, 0]], rows[q], sg[q])
              for q in range(QD)]
        @pl.when(jnp.logical_not(last))
        def _():
            nm = m + h
            nh = 1 - h
            pltpu.async_copy(idx_hbm.at[wid, nm, nh], idx_pref, si_pref)

        sd = []
        for q in range(QD):
            gd[q].wait()
            sd.append(pltpu.async_copy(rows[q], acc.at[idxq.at[q, 1]],
                                       ss[q], add=True))
        for q in range(QD):
            sd[q].wait()

    def step(m, carry):
        half(m, 0, idxa, sia, idxb, sib, False)
        half(m, 1, idxb, sib, idxa, sia, m >= NM - 1)
        return carry

    lax.fori_loop(0, NM, step, 0)

    plsc.subcore_barrier()
    pltpu.sync_copy(acc.at[pl.ds(row_base, ROWS_PER_TILE)],
                    out_hbm.at[cid, pl.ds(row_base, ROWS_PER_TILE)])


def _sc_aggregate(features, idx):
    mesh = plsc.VectorSubcoreMesh(core_axis_name="c", subcore_axis_name="s")
    zeros = jnp.zeros((ROWS_PER_TILE, D), jnp.float32)
    return pl.kernel(
        _sc_body,
        out_type=jax.ShapeDtypeStruct((NC, N_PAD, D), jnp.float32),
        mesh=mesh,
        scratch_types=[
            pltpu.VMEM((QD, 2, CHUNK), jnp.int32),
            pltpu.VMEM((QD, 2, CHUNK), jnp.int32),
            pltpu.VMEM((CHUNK, D), jnp.float32),
            pltpu.VMEM((CHUNK, D), jnp.float32),
            pltpu.VMEM((CHUNK, D), jnp.float32),
            pltpu.VMEM((CHUNK, D), jnp.float32),
            pltpu.VMEM_SHARED((N_PAD, D), jnp.float32),
        ] + [pltpu.SemaphoreType.DMA] * 10,
    )(features, idx, zeros)


ROW_BLK = 1000


def _tc_body(p_ref, w_ref, b_ref, o_ref):
    agg = p_ref[0] + p_ref[1]
    o_ref[...] = (
        jnp.dot(agg, w_ref[...], preferred_element_type=jnp.float32)
        + b_ref[...]
    )


def _tc_linear(partials, W, b):
    return pl.pallas_call(
        _tc_body,
        grid=(N_NODES // ROW_BLK,),
        in_specs=[
            pl.BlockSpec((NC, ROW_BLK, D), lambda i: (0, i, 0)),
            pl.BlockSpec((D, D), lambda i: (0, 0)),
            pl.BlockSpec((1, D), lambda i: (0, 0)),
        ],
        out_specs=pl.BlockSpec((ROW_BLK, D), lambda i: (i, 0)),
        out_shape=jax.ShapeDtypeStruct((N_NODES, D), jnp.float32),
    )(partials, W, b.reshape(1, D))


def kernel(features, edge_index, W, b):
    src = edge_index[0].astype(jnp.int32).reshape(NW, E_PER_TILE)
    dst = edge_index[1].astype(jnp.int32).reshape(NW, E_PER_TILE)
    pad = E_PAD - E_PER_TILE
    pad_src = (jnp.arange(pad, dtype=jnp.int32) * 41) % N_NODES
    pad_dst = N_NODES + (jnp.arange(pad, dtype=jnp.int32) % (N_PAD - N_NODES))
    src3 = jnp.concatenate(
        [src, jnp.broadcast_to(pad_src[None], (NW, pad))], axis=1
    ).reshape(NW, N_CHUNKS, CHUNK)
    dst3 = jnp.concatenate(
        [dst, jnp.broadcast_to(pad_dst[None], (NW, pad))], axis=1
    ).reshape(NW, N_CHUNKS, CHUNK)
    idx = (jnp.stack([src3, dst3], axis=2)
           .reshape(NW, NM, 2, QD, 2, CHUNK))
    partials = _sc_aggregate(features, idx)
    return _tc_linear(partials, W, b)

# --- scband reference (transcript-rebuilt; emitter-appended) ---
"""Pipeline reference for scband-graph-convolution-layer-10591389352061 (READ-ONLY COPY).

The authoritative reference and input builder live on the scoring server;
editing this copy changes nothing except your own understanding.
"""

import jax, jax.numpy as jnp
import numpy as np

N_NODES = 10000
N_EDGES = 320000
D_IN = 128
D_OUT = 128

def setup_inputs(seed: int = 0) -> dict:
    key = jax.random.key(seed)
    k1, k2, k3, k4 = jax.random.split(key, 4)
    features = jax.random.normal(k1, (N_NODES, D_IN), dtype=jnp.float32)
    edge_index = jax.random.randint(k2, (2, N_EDGES), 0, N_NODES, dtype=jnp.int64)
    # Linear(in_feats, out_feats) params
    bound = 1.0 / np.sqrt(D_IN)
    W = jax.random.uniform(k3, (D_IN, D_OUT), minval=-bound, maxval=bound, dtype=jnp.float32)
    b = jax.random.uniform(k4, (D_OUT,), minval=-bound, maxval=bound, dtype=jnp.float32)
    return {"features": features, "edge_index": edge_index, "W": W, "b": b}

def reference(features, edge_index, W, b):
    # GCN layer: update_all(copy_src -> sum) then NodeUpdateModule (Linear, no activation, no dropout)
    src = edge_index[0]
    dst = edge_index[1]
    msgs = jnp.take(features, src, axis=0)            # copy_src: gather source node features per edge
    agg = jax.ops.segment_sum(msgs, dst, num_segments=N_NODES)  # fn.sum over incoming messages
    h = agg @ W + b                                   # NodeUpdateModule linear; activation=None, dropout=0
    return h

if __name__ == "__main__":
    import jax
    _d = setup_inputs()
    print(jax.jit(kernel)(*tuple(_d.values())))

</pallas_src>

<mosaic_0001>
#map = affine_map<(d0, d1) -> (0, 0)>
#map1 = affine_map<(d0, d1) -> (0, 0, 0, 0, 0, 0)>
#map2 = affine_map<(d0, d1) -> (0, 0, 0)>
module attributes {stable_mosaic.version = 14 : i64} {
  func.func @_sc_body(%arg0: i32, %arg1: i32, %arg2: memref<10000x128xf32, #tpu.memory_space<hbm>>, %arg3: memref<32x20x2x4x2x64xi32, #tpu.memory_space<hbm>>, %arg4: memref<640x128xf32, #tpu.memory_space<hbm>>, %arg5: memref<2x10240x128xf32, #tpu.memory_space<hbm>>, %arg6: memref<4x2x64xi32, #tpu.memory_space<vmem>>, %arg7: memref<4x2x64xi32, #tpu.memory_space<vmem>>, %arg8: memref<64x128xf32, #tpu.memory_space<vmem>>, %arg9: memref<64x128xf32, #tpu.memory_space<vmem>>, %arg10: memref<64x128xf32, #tpu.memory_space<vmem>>, %arg11: memref<64x128xf32, #tpu.memory_space<vmem>>, %arg12: memref<10240x128xf32, #tpu.memory_space<vmem_shared>>, %arg13: memref<!tpu.dma_semaphore, #tpu.memory_space<semaphore_mem>>, %arg14: memref<!tpu.dma_semaphore, #tpu.memory_space<semaphore_mem>>, %arg15: memref<!tpu.dma_semaphore, #tpu.memory_space<semaphore_mem>>, %arg16: memref<!tpu.dma_semaphore, #tpu.memory_space<semaphore_mem>>, %arg17: memref<!tpu.dma_semaphore, #tpu.memory_space<semaphore_mem>>, %arg18: memref<!tpu.dma_semaphore, #tpu.memory_space<semaphore_mem>>, %arg19: memref<!tpu.dma_semaphore, #tpu.memory_space<semaphore_mem>>, %arg20: memref<!tpu.dma_semaphore, #tpu.memory_space<semaphore_mem>>, %arg21: memref<!tpu.dma_semaphore, #tpu.memory_space<semaphore_mem>>, %arg22: memref<!tpu.dma_semaphore, #tpu.memory_space<semaphore_mem>>) attributes {dimension_semantics = [#tpu.dimension_semantics<core_parallel>, #tpu.dimension_semantics<subcore_parallel>], iteration_bounds = array<i64: 2, 16>, scalar_prefetch = 0 : i64, scratch_operands = 17 : i64, tpu.core_type = #tpu.core_type<sc_vector_subcore>, window_params = [{transform_indices = #map}, {transform_indices = #map1}, {transform_indices = #map}, {transform_indices = #map2}]} {
    %mul3A = arith.constant 16 : i32
    %mul3A_0 = arith.muli %arg0, %mul3A : i32
    %add3A = arith.addi %mul3A_0, %arg1 : i32
    %mul3A_1 = arith.constant 640 : i32
    %mul3A_2 = arith.muli %arg1, %mul3A_1 : i32
    %dma_start3A = arith.constant 0 : i32
    %dma_start3A_3 = arith.constant 0 : i32
    %dma_start3A_4 = arith.constant 0 : i32
    %dma_start3A_5 = arith.constant 0 : i32
    %dma_start3A_6 = arith.constant 0 : i32
    %dma_start3A_7 = tpu.memref_slice %arg3[%add3A, %dma_start3A, %dma_start3A_3, %dma_start3A_4, %dma_start3A_5, %dma_start3A_6] : memref<32x20x2x4x2x64xi32, #tpu.memory_space<hbm>> -> memref<1x1x1x4x2x64xi32, #tpu.memory_space<hbm>>
    %dma_start3A_8 = tpu.memref_squeeze %dma_start3A_7 : memref<1x1x1x4x2x64xi32, #tpu.memory_space<hbm>> -> memref<4x2x64xi32, #tpu.memory_space<hbm>>
    %dma_start3A_9 = arith.constant 0 : i32
    %dma_start3A_10 = arith.constant 0 : i32
    %dma_start3A_11 = arith.constant 0 : i32
    %dma_start3A_12 = tpu.memref_slice %arg3[%add3A, %dma_start3A, %dma_start3A_3, %dma_start3A_9, %dma_start3A_10, %dma_start3A_11] : memref<32x20x2x4x2x64xi32, #tpu.memory_space<hbm>> -> memref<1x1x1x4x2x64xi32, #tpu.memory_space<hbm>>
    %dma_start3A_13 = tpu.memref_squeeze %dma_start3A_12 : memref<1x1x1x4x2x64xi32, #tpu.memory_space<hbm>> -> memref<4x2x64xi32, #tpu.memory_space<hbm>>
    tpu.enqueue_dma source(%dma_start3A_13 : memref<4x2x64xi32, #tpu.memory_space<hbm>>) target(%arg6 : memref<4x2x64xi32, #tpu.memory_space<vmem>>) target_semaphore(%arg13 : memref<!tpu.dma_semaphore, #tpu.memory_space<semaphore_mem>>)
    "tpu.region"() ({
      %run_scoped3A = tpu.sem_alloc : memref<!tpu.dma_semaphore, #tpu.memory_space<semaphore_mem>>
      %dma_start3A_20 = arith.constant 0 : i32
      %dma_start3A_21 = tpu.memref_slice %arg12[%mul3A_2, %dma_start3A_20] : memref<10240x128xf32, #tpu.memory_space<vmem_shared>> -> memref<640x128xf32, #tpu.memory_space<vmem_shared>>
      tpu.enqueue_dma source(%arg4 : memref<640x128xf32, #tpu.memory_space<hbm>>) target(%dma_start3A_21 : memref<640x128xf32, #tpu.memory_space<vmem_shared>>) target_semaphore(%run_scoped3A : memref<!tpu.dma_semaphore, #tpu.memory_space<semaphore_mem>>)
      %dma_wait3A = arith.constant 0 : i32
      %dma_wait3A_22 = tpu.memref_slice %arg12[%mul3A_2, %dma_wait3A] : memref<10240x128xf32, #tpu.memory_space<vmem_shared>> -> memref<640x128xf32, #tpu.memory_space<vmem_shared>>
      tpu.wait_dma2 semaphore(%run_scoped3A : memref<!tpu.dma_semaphore, #tpu.memory_space<semaphore_mem>>) src(%arg4 : memref<640x128xf32, #tpu.memory_space<hbm>>) dst(%dma_wait3A_22 : memref<640x128xf32, #tpu.memory_space<vmem_shared>>)
      tpu.yield
    }) : () -> ()
    %barrier3A = arith.constant 0 : index
    tpu.barrier barrier_id(%barrier3A)
    %scan3A = arith.constant 0 : i32
    %scan3A_14 = arith.constant 0 : i32
    %scan3A_15 = arith.constant 20 : i32
    %scan3A_16 = arith.addi %scan3A_14, %scan3A_15 : i32
    %scan3A_17 = arith.constant 1 : i32
    scf.for %scan3A_20 = %scan3A_14 to %scan3A_16 step %scan3A_17  : i32 {
      %dma_wait3A = arith.constant 0 : i32
      %dma_wait3A_21 = arith.constant 0 : i32
      %dma_wait3A_22 = arith.constant 0 : i32
      %dma_wait3A_23 = arith.constant 0 : i32
      %dma_wait3A_24 = tpu.memref_slice %arg3[%add3A, %scan3A_20, %dma_wait3A, %dma_wait3A_21, %dma_wait3A_22, %dma_wait3A_23] : memref<32x20x2x4x2x64xi32, #tpu.memory_space<hbm>> -> memref<1x1x1x4x2x64xi32, #tpu.memory_space<hbm>>
      %dma_wait3A_25 = tpu.memref_squeeze %dma_wait3A_24 : memref<1x1x1x4x2x64xi32, #tpu.memory_space<hbm>> -> memref<4x2x64xi32, #tpu.memory_space<hbm>>
      %dma_wait3A_26 = arith.constant 0 : i32
      %dma_wait3A_27 = arith.constant 0 : i32
      %dma_wait3A_28 = arith.constant 0 : i32
      %dma_wait3A_29 = tpu.memref_slice %arg3[%add3A, %scan3A_20, %dma_wait3A, %dma_wait3A_26, %dma_wait3A_27, %dma_wait3A_28] : memref<32x20x2x4x2x64xi32, #tpu.memory_space<hbm>> -> memref<1x1x1x4x2x64xi32, #tpu.memory_space<hbm>>
      %dma_wait3A_30 = tpu.memref_squeeze %dma_wait3A_29 : memref<1x1x1x4x2x64xi32, #tpu.memory_space<hbm>> -> memref<4x2x64xi32, #tpu.memory_space<hbm>>
      tpu.wait_dma2 semaphore(%arg13 : memref<!tpu.dma_semaphore, #tpu.memory_space<semaphore_mem>>) src(%dma_wait3A_30 : memref<4x2x64xi32, #tpu.memory_space<hbm>>) dst(%arg6 : memref<4x2x64xi32, #tpu.memory_space<vmem>>)
      %dma_start3A_31 = arith.constant 0 : i32
      %dma_start3A_32 = arith.constant 0 : i32
      %dma_start3A_33 = arith.constant 0 : i32
      %dma_start3A_34 = tpu.memref_slice %arg6[%dma_start3A_31, %dma_start3A_32, %dma_start3A_33] : memref<4x2x64xi32, #tpu.memory_space<vmem>> -> memref<1x1x64xi32, #tpu.memory_space<vmem>>
      %dma_start3A_35 = tpu.memref_squeeze %dma_start3A_34 : memref<1x1x64xi32, #tpu.memory_space<vmem>> -> memref<64xi32, #tpu.memory_space<vmem>>
      %dma_start3A_36 = arith.constant 0 : i32
      %dma_start3A_37 = arith.constant 0 : i32
      %dma_start3A_38 = tpu.memref_slice %arg2[%dma_start3A_36, %dma_start3A_37] : memref<10000x128xf32, #tpu.memory_space<hbm>> -> memref<10000x128xf32, #tpu.memory_space<hbm>>
      tpu.enqueue_indirect_dma source(%dma_start3A_38 : memref<10000x128xf32, #tpu.memory_space<hbm>>) target(%arg8 : memref<64x128xf32, #tpu.memory_space<vmem>>) offsets(%dma_start3A_35 : memref<64xi32, #tpu.memory_space<vmem>>) semaphore(%arg15 : memref<!tpu.dma_semaphore, #tpu.memory_space<semaphore_mem>>)
      %dma_start3A_39 = arith.constant 1 : i32
      %dma_start3A_40 = arith.constant 0 : i32
      %dma_start3A_41 = arith.constant 0 : i32
      %dma_start3A_42 = tpu.memref_slice %arg6[%dma_start3A_39, %dma_start3A_40, %dma_start3A_41] : memref<4x2x64xi32, #tpu.memory_space<vmem>> -> memref<1x1x64xi32, #tpu.memory_space<vmem>>
      %dma_start3A_43 = tpu.memref_squeeze %dma_start3A_42 : memref<1x1x64xi32, #tpu.memory_space<vmem>> -> memref<64xi32, #tpu.memory_space<vmem>>
      %dma_start3A_44 = arith.constant 0 : i32
      %dma_start3A_45 = arith.constant 0 : i32
      %dma_start3A_46 = tpu.memref_slice %arg2[%dma_start3A_44, %dma_start3A_45] : memref<10000x128xf32, #tpu.memory_space<hbm>> -> memref<10000x128xf32, #tpu.memory_space<hbm>>
      tpu.enqueue_indirect_dma source(%dma_start3A_46 : memref<10000x128xf32, #tpu.memory_space<hbm>>) target(%arg9 : memref<64x128xf32, #tpu.memory_space<vmem>>) offsets(%dma_start3A_43 : memref<64xi32, #tpu.memory_space<vmem>>) semaphore(%arg16 : memref<!tpu.dma_semaphore, #tpu.memory_space<semaphore_mem>>)
      %dma_start3A_47 = arith.constant 2 : i32
      %dma_start3A_48 = arith.constant 0 : i32
      %dma_start3A_49 = arith.constant 0 : i32
      %dma_start3A_50 = tpu.memref_slice %arg6[%dma_start3A_47, %dma_start3A_48, %dma_start3A_49] : memref<4x2x64xi32, #tpu.memory_space<vmem>> -> memref<1x1x64xi32, #tpu.memory_space<vmem>>
      %dma_start3A_51 = tpu.memref_squeeze %dma_start3A_50 : memref<1x1x64xi32, #tpu.memory_space<vmem>> -> memref<64xi32, #tpu.memory_space<vmem>>
      %dma_start3A_52 = arith.constant 0 : i32
      %dma_start3A_53 = arith.constant 0 : i32
      %dma_start3A_54 = tpu.memref_slice %arg2[%dma_start3A_52, %dma_start3A_53] : memref<10000x128xf32, #tpu.memory_space<hbm>> -> memref<10000x128xf32, #tpu.memory_space<hbm>>
      tpu.enqueue_indirect_dma source(%dma_start3A_54 : memref<10000x128xf32, #tpu.memory_space<hbm>>) target(%arg10 : memref<64x128xf32, #tpu.memory_space<vmem>>) offsets(%dma_start3A_51 : memref<64xi32, #tpu.memory_space<vmem>>) semaphore(%arg17 : memref<!tpu.dma_semaphore, #tpu.memory_space<semaphore_mem>>)
      %dma_start3A_55 = arith.constant 3 : i32
      %dma_start3A_56 = arith.constant 0 : i32
      %dma_start3A_57 = arith.constant 0 : i32
      %dma_start3A_58 = tpu.memref_slice %arg6[%dma_start3A_55, %dma_start3A_56, %dma_start3A_57] : memref<4x2x64xi32, #tpu.memory_space<vmem>> -> memref<1x1x64xi32, #tpu.memory_space<vmem>>
      %dma_start3A_59 = tpu.memref_squeeze %dma_start3A_58 : memref<1x1x64xi32, #tpu.memory_space<vmem>> -> memref<64xi32, #tpu.memory_space<vmem>>
      %dma_start3A_60 = arith.constant 0 : i32
      %dma_start3A_61 = arith.constant 0 : i32
      %dma_start3A_62 = tpu.memref_slice %arg2[%dma_start3A_60, %dma_start3A_61] : memref<10000x128xf32, #tpu.memory_space<hbm>> -> memref<10000x128xf32, #tpu.memory_space<hbm>>
      tpu.enqueue_indirect_dma source(%dma_start3A_62 : memref<10000x128xf32, #tpu.memory_space<hbm>>) target(%arg11 : memref<64x128xf32, #tpu.memory_space<vmem>>) offsets(%dma_start3A_59 : memref<64xi32, #tpu.memory_space<vmem>>) semaphore(%arg18 : memref<!tpu.dma_semaphore, #tpu.memory_space<semaphore_mem>>)
      %not3A = arith.constant false
      %not3A_63 = arith.constant true
      %not3A_64 = arith.xori %not3A, %not3A_63 : i1
      %convert_element_type3A = arith.extui %not3A_64 : i1 to i32
      %cond3A = arith.constant 0 : i32
      %cond3A_65 = arith.cmpi ne, %convert_element_type3A, %cond3A : i32
      scf.if %cond3A_65 {
        %add3A_307 = arith.constant 0 : i32
        %add3A_308 = arith.addi %scan3A_20, %add3A_307 : i32
        %dma_start3A_309 = arith.constant 1 : i32
        %dma_start3A_310 = arith.constant 0 : i32
        %dma_start3A_311 = arith.constant 0 : i32
        %dma_start3A_312 = arith.constant 0 : i32
        %dma_start3A_313 = tpu.memref_slice %arg3[%add3A, %add3A_308, %dma_start3A_309, %dma_start3A_310, %dma_start3A_311, %dma_start3A_312] : memref<32x20x2x4x2x64xi32, #tpu.memory_space<hbm>> -> memref<1x1x1x4x2x64xi32, #tpu.memory_space<hbm>>
        %dma_start3A_314 = tpu.memref_squeeze %dma_start3A_313 : memref<1x1x1x4x2x64xi32, #tpu.memory_space<hbm>> -> memref<4x2x64xi32, #tpu.memory_space<hbm>>
        %dma_start3A_315 = arith.constant 0 : i32
        %dma_start3A_316 = arith.constant 0 : i32
        %dma_start3A_317 = arith.constant 0 : i32
        %dma_start3A_318 = tpu.memref_slice %arg3[%add3A, %add3A_308, %dma_start3A_309, %dma_start3A_315, %dma_start3A_316, %dma_start3A_317] : memref<32x20x2x4x2x64xi32, #tpu.memory_space<hbm>> -> memref<1x1x1x4x2x64xi32, #tpu.memory_space<hbm>>
        %dma_start3A_319 = tpu.memref_squeeze %dma_start3A_318 : memref<1x1x1x4x2x64xi32, #tpu.memory_space<hbm>> -> memref<4x2x64xi32, #tpu.memory_space<hbm>>
        tpu.enqueue_dma source(%dma_start3A_319 : memref<4x2x64xi32, #tpu.memory_space<hbm>>) target(%arg7 : memref<4x2x64xi32, #tpu.memory_space<vmem>>) target_semaphore(%arg14 : memref<!tpu.dma_semaphore, #tpu.memory_space<semaphore_mem>>)
      } else {
      }
      %dma_wait3A_66 = arith.constant 0 : i32
      %dma_wait3A_67 = arith.constant 0 : i32
      %dma_wait3A_68 = arith.constant 0 : i32
      %dma_wait3A_69 = tpu.memref_slice %arg6[%dma_wait3A_66, %dma_wait3A_67, %dma_wait3A_68] : memref<4x2x64xi32, #tpu.memory_space<vmem>> -> memref<1x1x64xi32, #tpu.memory_space<vmem>>
      %dma_wait3A_70 = tpu.memref_squeeze %dma_wait3A_69 : memref<1x1x64xi32, #tpu.memory_space<vmem>> -> memref<64xi32, #tpu.memory_space<vmem>>
      %dma_wait3A_71 = arith.constant 0 : i32
      %dma_wait3A_72 = arith.constant 0 : i32
      %dma_wait3A_73 = tpu.memref_slice %arg2[%dma_wait3A_71, %dma_wait3A_72] : memref<10000x128xf32, #tpu.memory_space<hbm>> -> memref<10000x128xf32, #tpu.memory_space<hbm>>
      tpu.wait_indirect_dma semaphore(%arg15 : memref<!tpu.dma_semaphore, #tpu.memory_space<semaphore_mem>>) src(%dma_wait3A_73 : memref<10000x128xf32, #tpu.memory_space<hbm>>) dst(%arg8 : memref<64x128xf32, #tpu.memory_space<vmem>>)
      %dma_start3A_74 = arith.constant 0 : i32
      %dma_start3A_75 = arith.constant 1 : i32
      %dma_start3A_76 = arith.constant 0 : i32
      %dma_start3A_77 = tpu.memref_slice %arg6[%dma_start3A_74, %dma_start3A_75, %dma_start3A_76] : memref<4x2x64xi32, #tpu.memory_space<vmem>> -> memref<1x1x64xi32, #tpu.memory_space<vmem>>
      %dma_start3A_78 = tpu.memref_squeeze %dma_start3A_77 : memref<1x1x64xi32, #tpu.memory_space<vmem>> -> memref<64xi32, #tpu.memory_space<vmem>>
      %dma_start3A_79 = arith.constant 0 : i32
      %dma_start3A_80 = arith.constant 0 : i32
      %dma_start3A_81 = tpu.memref_slice %arg12[%dma_start3A_79, %dma_start3A_80] : memref<10240x128xf32, #tpu.memory_space<vmem_shared>> -> memref<10240x128xf32, #tpu.memory_space<vmem_shared>>
      tpu.enqueue_indirect_dma source(%arg8 : memref<64x128xf32, #tpu.memory_space<vmem>>) target(%dma_start3A_81 : memref<10240x128xf32, #tpu.memory_space<vmem_shared>>) offsets(%dma_start3A_78 : memref<64xi32, #tpu.memory_space<vmem>>) semaphore(%arg19 : memref<!tpu.dma_semaphore, #tpu.memory_space<semaphore_mem>>) {add = true}
      %dma_wait3A_82 = arith.constant 1 : i32
      %dma_wait3A_83 = arith.constant 0 : i32
      %dma_wait3A_84 = arith.constant 0 : i32
      %dma_wait3A_85 = tpu.memref_slice %arg6[%dma_wait3A_82, %dma_wait3A_83, %dma_wait3A_84] : memref<4x2x64xi32, #tpu.memory_space<vmem>> -> memref<1x1x64xi32, #tpu.memory_space<vmem>>
      %dma_wait3A_86 = tpu.memref_squeeze %dma_wait3A_85 : memref<1x1x64xi32, #tpu.memory_space<vmem>> -> memref<64xi32, #tpu.memory_space<vmem>>
      %dma_wait3A_87 = arith.constant 0 : i32
      %dma_wait3A_88 = arith.constant 0 : i32
      %dma_wait3A_89 = tpu.memref_slice %arg2[%dma_wait3A_87, %dma_wait3A_88] : memref<10000x128xf32, #tpu.memory_space<hbm>> -> memref<10000x128xf32, #tpu.memory_space<hbm>>
      tpu.wait_indirect_dma semaphore(%arg16 : memref<!tpu.dma_semaphore, #tpu.memory_space<semaphore_mem>>) src(%dma_wait3A_89 : memref<10000x128xf32, #tpu.memory_space<hbm>>) dst(%arg9 : memref<64x128xf32, #tpu.memory_space<vmem>>)
      %dma_start3A_90 = arith.constant 1 : i32
      %dma_start3A_91 = arith.constant 1 : i32
      %dma_start3A_92 = arith.constant 0 : i32
      %dma_start3A_93 = tpu.memref_slice %arg6[%dma_start3A_90, %dma_start3A_91, %dma_start3A_92] : memref<4x2x64xi32, #tpu.memory_space<vmem>> -> memref<1x1x64xi32, #tpu.memory_space<vmem>>
      %dma_start3A_94 = tpu.memref_squeeze %dma_start3A_93 : memref<1x1x64xi32, #tpu.memory_space<vmem>> -> memref<64xi32, #tpu.memory_space<vmem>>
      %dma_start3A_95 = arith.constant 0 : i32
      %dma_start3A_96 = arith.constant 0 : i32
      %dma_start3A_97 = tpu.memref_slice %arg12[%dma_start3A_95, %dma_start3A_96] : memref<10240x128xf32, #tpu.memory_space<vmem_shared>> -> memref<10240x128xf32, #tpu.memory_space<vmem_shared>>
      tpu.enqueue_indirect_dma source(%arg9 : memref<64x128xf32, #tpu.memory_space<vmem>>) target(%dma_start3A_97 : memref<10240x128xf32, #tpu.memory_space<vmem_shared>>) offsets(%dma_start3A_94 : memref<64xi32, #tpu.memory_space<vmem>>) semaphore(%arg20 : memref<!tpu.dma_semaphore, #tpu.memory_space<semaphore_mem>>) {add = true}
      %dma_wait3A_98 = arith.constant 2 : i32
      %dma_wait3A_99 = arith.constant 0 : i32
      %dma_wait3A_100 = arith.constant 0 : i32
      %dma_wait3A_101 = tpu.memref_slice %arg6[%dma_wait3A_98, %dma_wait3A_99, %dma_wait3A_100] : memref<4x2x64xi32, #tpu.memory_space<vmem>> -> memref<1x1x64xi32, #tpu.memory_space<vmem>>
      %dma_wait3A_102 = tpu.memref_squeeze %dma_wait3A_101 : memref<1x1x64xi32, #tpu.memory_space<vmem>> -> memref<64xi32, #tpu.memory_space<vmem>>
      %dma_wait3A_103 = arith.constant 0 : i32
      %dma_wait3A_104 = arith.constant 0 : i32
      %dma_wait3A_105 = tpu.memref_slice %arg2[%dma_wait3A_103, %dma_wait3A_104] : memref<10000x128xf32, #tpu.memory_space<hbm>> -> memref<10000x128xf32, #tpu.memory_space<hbm>>
      tpu.wait_indirect_dma semaphore(%arg17 : memref<!tpu.dma_semaphore, #tpu.memory_space<semaphore_mem>>) src(%dma_wait3A_105 : memref<10000x128xf32, #tpu.memory_space<hbm>>) dst(%arg10 : memref<64x128xf32, #tpu.memory_space<vmem>>)
      %dma_start3A_106 = arith.constant 2 : i32
      %dma_start3A_107 = arith.constant 1 : i32
      %dma_start3A_108 = arith.constant 0 : i32
      %dma_start3A_109 = tpu.memref_slice %arg6[%dma_start3A_106, %dma_start3A_107, %dma_start3A_108] : memref<4x2x64xi32, #tpu.memory_space<vmem>> -> memref<1x1x64xi32, #tpu.memory_space<vmem>>
      %dma_start3A_110 = tpu.memref_squeeze %dma_start3A_109 : memref<1x1x64xi32, #tpu.memory_space<vmem>> -> memref<64xi32, #tpu.memory_space<vmem>>
      %dma_start3A_111 = arith.constant 0 : i32
      %dma_start3A_112 = arith.constant 0 : i32
      %dma_start3A_113 = tpu.memref_slice %arg12[%dma_start3A_111, %dma_start3A_112] : memref<10240x128xf32, #tpu.memory_space<vmem_shared>> -> memref<10240x128xf32, #tpu.memory_space<vmem_shared>>
      tpu.enqueue_indirect_dma source(%arg10 : memref<64x128xf32, #tpu.memory_space<vmem>>) target(%dma_start3A_113 : memref<10240x128xf32, #tpu.memory_space<vmem_shared>>) offsets(%dma_start3A_110 : memref<64xi32, #tpu.memory_space<vmem>>) semaphore(%arg21 : memref<!tpu.dma_semaphore, #tpu.memory_space<semaphore_mem>>) {add = true}
      %dma_wait3A_114 = arith.constant 3 : i32
      %dma_wait3A_115 = arith.constant 0 : i32
      %dma_wait3A_116 = arith.constant 0 : i32
      %dma_wait3A_117 = tpu.memref_slice %arg6[%dma_wait3A_114, %dma_wait3A_115, %dma_wait3A_116] : memref<4x2x64xi32, #tpu.memory_space<vmem>> -> memref<1x1x64xi32, #tpu.memory_space<vmem>>
      %dma_wait3A_118 = tpu.memref_squeeze %dma_wait3A_117 : memref<1x1x64xi32, #tpu.memory_space<vmem>> -> memref<64xi32, #tpu.memory_space<vmem>>
      %dma_wait3A_119 = arith.constant 0 : i32
      %dma_wait3A_120 = arith.constant 0 : i32
      %dma_wait3A_121 = tpu.memref_slice %arg2[%dma_wait3A_119, %dma_wait3A_120] : memref<10000x128xf32, #tpu.memory_space<hbm>> -> memref<10000x128xf32, #tpu.memory_space<hbm>>
      tpu.wait_indirect_dma semaphore(%arg18 : memref<!tpu.dma_semaphore, #tpu.memory_space<semaphore_mem>>) src(%dma_wait3A_121 : memref<10000x128xf32, #tpu.memory_space<hbm>>) dst(%arg11 : memref<64x128xf32, #tpu.memory_space<vmem>>)
      %dma_start3A_122 = arith.constant 3 : i32
      %dma_start3A_123 = arith.constant 1 : i32
      %dma_start3A_124 = arith.constant 0 : i32
      %dma_start3A_125 = tpu.memref_slice %arg6[%dma_start3A_122, %dma_start3A_123, %dma_start3A_124] : memref<4x2x64xi32, #tpu.memory_space<vmem>> -> memref<1x1x64xi32, #tpu.memory_space<vmem>>
      %dma_start3A_126 = tpu.memref_squeeze %dma_start3A_125 : memref<1x1x64xi32, #tpu.memory_space<vmem>> -> memref<64xi32, #tpu.memory_space<vmem>>
      %dma_start3A_127 = arith.constant 0 : i32
      %dma_start3A_128 = arith.constant 0 : i32
      %dma_start3A_129 = tpu.memref_slice %arg12[%dma_start3A_127, %dma_start3A_128] : memref<10240x128xf32, #tpu.memory_space<vmem_shared>> -> memref<10240x128xf32, #tpu.memory_space<vmem_shared>>
      tpu.enqueue_indirect_dma source(%arg11 : memref<64x128xf32, #tpu.memory_space<vmem>>) target(%dma_start3A_129 : memref<10240x128xf32, #tpu.memory_space<vmem_shared>>) offsets(%dma_start3A_126 : memref<64xi32, #tpu.memory_space<vmem>>) semaphore(%arg22 : memref<!tpu.dma_semaphore, #tpu.memory_space<semaphore_mem>>) {add = true}
      %dma_wait3A_130 = arith.constant 0 : i32
      %dma_wait3A_131 = arith.constant 1 : i32
      %dma_wait3A_132 = arith.constant 0 : i32
      %dma_wait3A_133 = tpu.memref_slice %arg6[%dma_wait3A_130, %dma_wait3A_131, %dma_wait3A_132] : memref<4x2x64xi32, #tpu.memory_space<vmem>> -> memref<1x1x64xi32, #tpu.memory_space<vmem>>
      %dma_wait3A_134 = tpu.memref_squeeze %dma_wait3A_133 : memref<1x1x64xi32, #tpu.memory_space<vmem>> -> memref<64xi32, #tpu.memory_space<vmem>>
      %dma_wait3A_135 = arith.constant 0 : i32
      %dma_wait3A_136 = arith.constant 0 : i32
      %dma_wait3A_137 = tpu.memref_slice %arg12[%dma_wait3A_135, %dma_wait3A_136] : memref<10240x128xf32, #tpu.memory_space<vmem_shared>> -> memref<10240x128xf32, #tpu.memory_space<vmem_shared>>
      tpu.wait_indirect_dma semaphore(%arg19 : memref<!tpu.dma_semaphore, #tpu.memory_space<semaphore_mem>>) src(%arg8 : memref<64x128xf32, #tpu.memory_space<vmem>>) dst(%dma_wait3A_137 : memref<10240x128xf32, #tpu.memory_space<vmem_shared>>)
      %dma_wait3A_138 = arith.constant 1 : i32
      %dma_wait3A_139 = arith.constant 1 : i32
      %dma_wait3A_140 = arith.constant 0 : i32
      %dma_wait3A_141 = tpu.memref_slice %arg6[%dma_wait3A_138, %dma_wait3A_139, %dma_wait3A_140] : memref<4x2x64xi32, #tpu.memory_space<vmem>> -> memref<1x1x64xi32, #tpu.memory_space<vmem>>
      %dma_wait3A_142 = tpu.memref_squeeze %dma_wait3A_141 : memref<1x1x64xi32, #tpu.memory_space<vmem>> -> memref<64xi32, #tpu.memory_space<vmem>>
      %dma_wait3A_143 = arith.constant 0 : i32
      %dma_wait3A_144 = arith.constant 0 : i32
      %dma_wait3A_145 = tpu.memref_slice %arg12[%dma_wait3A_143, %dma_wait3A_144] : memref<10240x128xf32, #tpu.memory_space<vmem_shared>> -> memref<10240x128xf32, #tpu.memory_space<vmem_shared>>
      tpu.wait_indirect_dma semaphore(%arg20 : memref<!tpu.dma_semaphore, #tpu.memory_space<semaphore_mem>>) src(%arg9 : memref<64x128xf32, #tpu.memory_space<vmem>>) dst(%dma_wait3A_145 : memref<10240x128xf32, #tpu.memory_space<vmem_shared>>)
      %dma_wait3A_146 = arith.constant 2 : i32
      %dma_wait3A_147 = arith.constant 1 : i32
      %dma_wait3A_148 = arith.constant 0 : i32
      %dma_wait3A_149 = tpu.memref_slice %arg6[%dma_wait3A_146, %dma_wait3A_147, %dma_wait3A_148] : memref<4x2x64xi32, #tpu.memory_space<vmem>> -> memref<1x1x64xi32, #tpu.memory_space<vmem>>
      %dma_wait3A_150 = tpu.memref_squeeze %dma_wait3A_149 : memref<1x1x64xi32, #tpu.memory_space<vmem>> -> memref<64xi32, #tpu.memory_space<vmem>>
      %dma_wait3A_151 = arith.constant 0 : i32
      %dma_wait3A_152 = arith.constant 0 : i32
      %dma_wait3A_153 = tpu.memref_slice %arg12[%dma_wait3A_151, %dma_wait3A_152] : memref<10240x128xf32, #tpu.memory_space<vmem_shared>> -> memref<10240x128xf32, #tpu.memory_space<vmem_shared>>
      tpu.wait_indirect_dma semaphore(%arg21 : memref<!tpu.dma_semaphore, #tpu.memory_space<semaphore_mem>>) src(%arg10 : memref<64x128xf32, #tpu.memory_space<vmem>>) dst(%dma_wait3A_153 : memref<10240x128xf32, #tpu.memory_space<vmem_shared>>)
      %dma_wait3A_154 = arith.constant 3 : i32
      %dma_wait3A_155 = arith.constant 1 : i32
      %dma_wait3A_156 = arith.constant 0 : i32
      %dma_wait3A_157 = tpu.memref_slice %arg6[%dma_wait3A_154, %dma_wait3A_155, %dma_wait3A_156] : memref<4x2x64xi32, #tpu.memory_space<vmem>> -> memref<1x1x64xi32, #tpu.memory_space<vmem>>
      %dma_wait3A_158 = tpu.memref_squeeze %dma_wait3A_157 : memref<1x1x64xi32, #tpu.memory_space<vmem>> -> memref<64xi32, #tpu.memory_space<vmem>>
      %dma_wait3A_159 = arith.constant 0 : i32
      %dma_wait3A_160 = arith.constant 0 : i32
      %dma_wait3A_161 = tpu.memref_slice %arg12[%dma_wait3A_159, %dma_wait3A_160] : memref<10240x128xf32, #tpu.memory_space<vmem_shared>> -> memref<10240x128xf32, #tpu.memory_space<vmem_shared>>
      tpu.wait_indirect_dma semaphore(%arg22 : memref<!tpu.dma_semaphore, #tpu.memory_space<semaphore_mem>>) src(%arg11 : memref<64x128xf32, #tpu.memory_space<vmem>>) dst(%dma_wait3A_161 : memref<10240x128xf32, #tpu.memory_space<vmem_shared>>)
      %ge3A = arith.constant 19 : i32
      %ge3A_162 = arith.cmpi sge, %scan3A_20, %ge3A : i32
      %dma_wait3A_163 = arith.constant 1 : i32
      %dma_wait3A_164 = arith.constant 0 : i32
      %dma_wait3A_165 = arith.constant 0 : i32
      %dma_wait3A_166 = arith.constant 0 : i32
      %dma_wait3A_167 = tpu.memref_slice %arg3[%add3A, %scan3A_20, %dma_wait3A_163, %dma_wait3A_164, %dma_wait3A_165, %dma_wait3A_166] : memref<32x20x2x4x2x64xi32, #tpu.memory_space<hbm>> -> memref<1x1x1x4x2x64xi32, #tpu.memory_space<hbm>>
      %dma_wait3A_168 = tpu.memref_squeeze %dma_wait3A_167 : memref<1x1x1x4x2x64xi32, #tpu.memory_space<hbm>> -> memref<4x2x64xi32, #tpu.memory_space<hbm>>
      %dma_wait3A_169 = arith.constant 0 : i32
      %dma_wait3A_170 = arith.constant 0 : i32
      %dma_wait3A_171 = arith.constant 0 : i32
      %dma_wait3A_172 = tpu.memref_slice %arg3[%add3A, %scan3A_20, %dma_wait3A_163, %dma_wait3A_169, %dma_wait3A_170, %dma_wait3A_171] : memref<32x20x2x4x2x64xi32, #tpu.memory_space<hbm>> -> memref<1x1x1x4x2x64xi32, #tpu.memory_space<hbm>>
      %dma_wait3A_173 = tpu.memref_squeeze %dma_wait3A_172 : memref<1x1x1x4x2x64xi32, #tpu.memory_space<hbm>> -> memref<4x2x64xi32, #tpu.memory_space<hbm>>
      tpu.wait_dma2 semaphore(%arg14 : memref<!tpu.dma_semaphore, #tpu.memory_space<semaphore_mem>>) src(%dma_wait3A_173 : memref<4x2x64xi32, #tpu.memory_space<hbm>>) dst(%arg7 : memref<4x2x64xi32, #tpu.memory_space<vmem>>)
      %dma_start3A_174 = arith.constant 0 : i32
      %dma_start3A_175 = arith.constant 0 : i32
      %dma_start3A_176 = arith.constant 0 : i32
      %dma_start3A_177 = tpu.memref_slice %arg7[%dma_start3A_174, %dma_start3A_175, %dma_start3A_176] : memref<4x2x64xi32, #tpu.memory_space<vmem>> -> memref<1x1x64xi32, #tpu.memory_space<vmem>>
      %dma_start3A_178 = tpu.memref_squeeze %dma_start3A_177 : memref<1x1x64xi32, #tpu.memory_space<vmem>> -> memref<64xi32, #tpu.memory_space<vmem>>
      %dma_start3A_179 = arith.constant 0 : i32
      %dma_start3A_180 = arith.constant 0 : i32
      %dma_start3A_181 = tpu.memref_slice %arg2[%dma_start3A_179, %dma_start3A_180] : memref<10000x128xf32, #tpu.memory_space<hbm>> -> memref<10000x128xf32, #tpu.memory_space<hbm>>
      tpu.enqueue_indirect_dma source(%dma_start3A_181 : memref<10000x128xf32, #tpu.memory_space<hbm>>) target(%arg8 : memref<64x128xf32, #tpu.memory_space<vmem>>) offsets(%dma_start3A_178 : memref<64xi32, #tpu.memory_space<vmem>>) semaphore(%arg15 : memref<!tpu.dma_semaphore, #tpu.memory_space<semaphore_mem>>)
      %dma_start3A_182 = arith.constant 1 : i32
      %dma_start3A_183 = arith.constant 0 : i32
      %dma_start3A_184 = arith.constant 0 : i32
      %dma_start3A_185 = tpu.memref_slice %arg7[%dma_start3A_182, %dma_start3A_183, %dma_start3A_184] : memref<4x2x64xi32, #tpu.memory_space<vmem>> -> memref<1x1x64xi32, #tpu.memory_space<vmem>>
      %dma_start3A_186 = tpu.memref_squeeze %dma_start3A_185 : memref<1x1x64xi32, #tpu.memory_space<vmem>> -> memref<64xi32, #tpu.memory_space<vmem>>
      %dma_start3A_187 = arith.constant 0 : i32
      %dma_start3A_188 = arith.constant 0 : i32
      %dma_start3A_189 = tpu.memref_slice %arg2[%dma_start3A_187, %dma_start3A_188] : memref<10000x128xf32, #tpu.memory_space<hbm>> -> memref<10000x128xf32, #tpu.memory_space<hbm>>
      tpu.enqueue_indirect_dma source(%dma_start3A_189 : memref<10000x128xf32, #tpu.memory_space<hbm>>) target(%arg9 : memref<64x128xf32, #tpu.memory_space<vmem>>) offsets(%dma_start3A_186 : memref<64xi32, #tpu.memory_space<vmem>>) semaphore(%arg16 : memref<!tpu.dma_semaphore, #tpu.memory_space<semaphore_mem>>)
      %dma_start3A_190 = arith.constant 2 : i32
      %dma_start3A_191 = arith.constant 0 : i32
      %dma_start3A_192 = arith.constant 0 : i32
      %dma_start3A_193 = tpu.memref_slice %arg7[%dma_start3A_190, %dma_start3A_191, %dma_start3A_192] : memref<4x2x64xi32, #tpu.memory_space<vmem>> -> memref<1x1x64xi32, #tpu.memory_space<vmem>>
      %dma_start3A_194 = tpu.memref_squeeze %dma_start3A_193 : memref<1x1x64xi32, #tpu.memory_space<vmem>> -> memref<64xi32, #tpu.memory_space<vmem>>
      %dma_start3A_195 = arith.constant 0 : i32
      %dma_start3A_196 = arith.constant 0 : i32
      %dma_start3A_197 = tpu.memref_slice %arg2[%dma_start3A_195, %dma_start3A_196] : memref<10000x128xf32, #tpu.memory_space<hbm>> -> memref<10000x128xf32, #tpu.memory_space<hbm>>
      tpu.enqueue_indirect_dma source(%dma_start3A_197 : memref<10000x128xf32, #tpu.memory_space<hbm>>) target(%arg10 : memref<64x128xf32, #tpu.memory_space<vmem>>) offsets(%dma_start3A_194 : memref<64xi32, #tpu.memory_space<vmem>>) semaphore(%arg17 : memref<!tpu.dma_semaphore, #tpu.memory_space<semaphore_mem>>)
      %dma_start3A_198 = arith.constant 3 : i32
      %dma_start3A_199 = arith.constant 0 : i32
      %dma_start3A_200 = arith.constant 0 : i32
      %dma_start3A_201 = tpu.memref_slice %arg7[%dma_start3A_198, %dma_start3A_199, %dma_start3A_200] : memref<4x2x64xi32, #tpu.memory_space<vmem>> -> memref<1x1x64xi32, #tpu.memory_space<vmem>>
      %dma_start3A_202 = tpu.memref_squeeze %dma_start3A_201 : memref<1x1x64xi32, #tpu.memory_space<vmem>> -> memref<64xi32, #tpu.memory_space<vmem>>
      %dma_start3A_203 = arith.constant 0 : i32
      %dma_start3A_204 = arith.constant 0 : i32
      %dma_start3A_205 = tpu.memref_slice %arg2[%dma_start3A_203, %dma_start3A_204] : memref<10000x128xf32, #tpu.memory_space<hbm>> -> memref<10000x128xf32, #tpu.memory_space<hbm>>
      tpu.enqueue_indirect_dma source(%dma_start3A_205 : memref<10000x128xf32, #tpu.memory_space<hbm>>) target(%arg11 : memref<64x128xf32, #tpu.memory_space<vmem>>) offsets(%dma_start3A_202 : memref<64xi32, #tpu.memory_space<vmem>>) semaphore(%arg18 : memref<!tpu.dma_semaphore, #tpu.memory_space<semaphore_mem>>)
      %not3A_206 = arith.constant true
      %not3A_207 = arith.xori %ge3A_162, %not3A_206 : i1
      %convert_element_type3A_208 = arith.extui %not3A_207 : i1 to i32
      %cond3A_209 = arith.constant 0 : i32
      %cond3A_210 = arith.cmpi ne, %convert_element_type3A_208, %cond3A_209 : i32
      scf.if %cond3A_210 {
        %add3A_307 = arith.constant 1 : i32
        %add3A_308 = arith.addi %scan3A_20, %add3A_307 : i32
        %dma_start3A_309 = arith.constant 0 : i32
        %dma_start3A_310 = arith.constant 0 : i32
        %dma_start3A_311 = arith.constant 0 : i32
        %dma_start3A_312 = arith.constant 0 : i32
        %dma_start3A_313 = tpu.memref_slice %arg3[%add3A, %add3A_308, %dma_start3A_309, %dma_start3A_310, %dma_start3A_311, %dma_start3A_312] : memref<32x20x2x4x2x64xi32, #tpu.memory_space<hbm>> -> memref<1x1x1x4x2x64xi32, #tpu.memory_space<hbm>>
        %dma_start3A_314 = tpu.memref_squeeze %dma_start3A_313 : memref<1x1x1x4x2x64xi32, #tpu.memory_space<hbm>> -> memref<4x2x64xi32, #tpu.memory_space<hbm>>
        %dma_start3A_315 = arith.constant 0 : i32
        %dma_start3A_316 = arith.constant 0 : i32
        %dma_start3A_317 = arith.constant 0 : i32
        %dma_start3A_318 = tpu.memref_slice %arg3[%add3A, %add3A_308, %dma_start3A_309, %dma_start3A_315, %dma_start3A_316, %dma_start3A_317] : memref<32x20x2x4x2x64xi32, #tpu.memory_space<hbm>> -> memref<1x1x1x4x2x64xi32, #tpu.memory_space<hbm>>
        %dma_start3A_319 = tpu.memref_squeeze %dma_start3A_318 : memref<1x1x1x4x2x64xi32, #tpu.memory_space<hbm>> -> memref<4x2x64xi32, #tpu.memory_space<hbm>>
        tpu.enqueue_dma source(%dma_start3A_319 : memref<4x2x64xi32, #tpu.memory_space<hbm>>) target(%arg6 : memref<4x2x64xi32, #tpu.memory_space<vmem>>) target_semaphore(%arg13 : memref<!tpu.dma_semaphore, #tpu.memory_space<semaphore_mem>>)
      } else {
      }
      %dma_wait3A_211 = arith.constant 0 : i32
      %dma_wait3A_212 = arith.constant 0 : i32
      %dma_wait3A_213 = arith.constant 0 : i32
      %dma_wait3A_214 = tpu.memref_slice %arg7[%dma_wait3A_211, %dma_wait3A_212, %dma_wait3A_213] : memref<4x2x64xi32, #tpu.memory_space<vmem>> -> memref<1x1x64xi32, #tpu.memory_space<vmem>>
      %dma_wait3A_215 = tpu.memref_squeeze %dma_wait3A_214 : memref<1x1x64xi32, #tpu.memory_space<vmem>> -> memref<64xi32, #tpu.memory_space<vmem>>
      %dma_wait3A_216 = arith.constant 0 : i32
      %dma_wait3A_217 = arith.constant 0 : i32
      %dma_wait3A_218 = tpu.memref_slice %arg2[%dma_wait3A_216, %dma_wait3A_217] : memref<10000x128xf32, #tpu.memory_space<hbm>> -> memref<10000x128xf32, #tpu.memory_space<hbm>>
      tpu.wait_indirect_dma semaphore(%arg15 : memref<!tpu.dma_semaphore, #tpu.memory_space<semaphore_mem>>) src(%dma_wait3A_218 : memref<10000x128xf32, #tpu.memory_space<hbm>>) dst(%arg8 : memref<64x128xf32, #tpu.memory_space<vmem>>)
      %dma_start3A_219 = arith.constant 0 : i32
      %dma_start3A_220 = arith.constant 1 : i32
      %dma_start3A_221 = arith.constant 0 : i32
      %dma_start3A_222 = tpu.memref_slice %arg7[%dma_start3A_219, %dma_start3A_220, %dma_start3A_221] : memref<4x2x64xi32, #tpu.memory_space<vmem>> -> memref<1x1x64xi32, #tpu.memory_space<vmem>>
      %dma_start3A_223 = tpu.memref_squeeze %dma_start3A_222 : memref<1x1x64xi32, #tpu.memory_space<vmem>> -> memref<64xi32, #tpu.memory_space<vmem>>
      %dma_start3A_224 = arith.constant 0 : i32
      %dma_start3A_225 = arith.constant 0 : i32
      %dma_start3A_226 = tpu.memref_slice %arg12[%dma_start3A_224, %dma_start3A_225] : memref<10240x128xf32, #tpu.memory_space<vmem_shared>> -> memref<10240x128xf32, #tpu.memory_space<vmem_shared>>
      tpu.enqueue_indirect_dma source(%arg8 : memref<64x128xf32, #tpu.memory_space<vmem>>) target(%dma_start3A_226 : memref<10240x128xf32, #tpu.memory_space<vmem_shared>>) offsets(%dma_start3A_223 : memref<64xi32, #tpu.memory_space<vmem>>) semaphore(%arg19 : memref<!tpu.dma_semaphore, #tpu.memory_space<semaphore_mem>>) {add = true}
      %dma_wait3A_227 = arith.constant 1 : i32
      %dma_wait3A_228 = arith.constant 0 : i32
      %dma_wait3A_229 = arith.constant 0 : i32
      %dma_wait3A_230 = tpu.memref_slice %arg7[%dma_wait3A_227, %dma_wait3A_228, %dma_wait3A_229] : memref<4x2x64xi32, #tpu.memory_space<vmem>> -> memref<1x1x64xi32, #tpu.memory_space<vmem>>
      %dma_wait3A_231 = tpu.memref_squeeze %dma_wait3A_230 : memref<1x1x64xi32, #tpu.memory_space<vmem>> -> memref<64xi32, #tpu.memory_space<vmem>>
      %dma_wait3A_232 = arith.constant 0 : i32
      %dma_wait3A_233 = arith.constant 0 : i32
      %dma_wait3A_234 = tpu.memref_slice %arg2[%dma_wait3A_232, %dma_wait3A_233] : memref<10000x128xf32, #tpu.memory_space<hbm>> -> memref<10000x128xf32, #tpu.memory_space<hbm>>
      tpu.wait_indirect_dma semaphore(%arg16 : memref<!tpu.dma_semaphore, #tpu.memory_space<semaphore_mem>>) src(%dma_wait3A_234 : memref<10000x128xf32, #tpu.memory_space<hbm>>) dst(%arg9 : memref<64x128xf32, #tpu.memory_space<vmem>>)
      %dma_start3A_235 = arith.constant 1 : i32
      %dma_start3A_236 = arith.constant 1 : i32
      %dma_start3A_237 = arith.constant 0 : i32
      %dma_start3A_238 = tpu.memref_slice %arg7[%dma_start3A_235, %dma_start3A_236, %dma_start3A_237] : memref<4x2x64xi32, #tpu.memory_space<vmem>> -> memref<1x1x64xi32, #tpu.memory_space<vmem>>
      %dma_start3A_239 = tpu.memref_squeeze %dma_start3A_238 : memref<1x1x64xi32, #tpu.memory_space<vmem>> -> memref<64xi32, #tpu.memory_space<vmem>>
      %dma_start3A_240 = arith.constant 0 : i32
      %dma_start3A_241 = arith.constant 0 : i32
      %dma_start3A_242 = tpu.memref_slice %arg12[%dma_start3A_240, %dma_start3A_241] : memref<10240x128xf32, #tpu.memory_space<vmem_shared>> -> memref<10240x128xf32, #tpu.memory_space<vmem_shared>>
      tpu.enqueue_indirect_dma source(%arg9 : memref<64x128xf32, #tpu.memory_space<vmem>>) target(%dma_start3A_242 : memref<10240x128xf32, #tpu.memory_space<vmem_shared>>) offsets(%dma_start3A_239 : memref<64xi32, #tpu.memory_space<vmem>>) semaphore(%arg20 : memref<!tpu.dma_semaphore, #tpu.memory_space<semaphore_mem>>) {add = true}
      %dma_wait3A_243 = arith.constant 2 : i32
      %dma_wait3A_244 = arith.constant 0 : i32
      %dma_wait3A_245 = arith.constant 0 : i32
      %dma_wait3A_246 = tpu.memref_slice %arg7[%dma_wait3A_243, %dma_wait3A_244, %dma_wait3A_245] : memref<4x2x64xi32, #tpu.memory_space<vmem>> -> memref<1x1x64xi32, #tpu.memory_space<vmem>>
      %dma_wait3A_247 = tpu.memref_squeeze %dma_wait3A_246 : memref<1x1x64xi32, #tpu.memory_space<vmem>> -> memref<64xi32, #tpu.memory_space<vmem>>
      %dma_wait3A_248 = arith.constant 0 : i32
      %dma_wait3A_249 = arith.constant 0 : i32
      %dma_wait3A_250 = tpu.memref_slice %arg2[%dma_wait3A_248, %dma_wait3A_249] : memref<10000x128xf32, #tpu.memory_space<hbm>> -> memref<10000x128xf32, #tpu.memory_space<hbm>>
      tpu.wait_indirect_dma semaphore(%arg17 : memref<!tpu.dma_semaphore, #tpu.memory_space<semaphore_mem>>) src(%dma_wait3A_250 : memref<10000x128xf32, #tpu.memory_space<hbm>>) dst(%arg10 : memref<64x128xf32, #tpu.memory_space<vmem>>)
      %dma_start3A_251 = arith.constant 2 : i32
      %dma_start3A_252 = arith.constant 1 : i32
      %dma_start3A_253 = arith.constant 0 : i32
      %dma_start3A_254 = tpu.memref_slice %arg7[%dma_start3A_251, %dma_start3A_252, %dma_start3A_253] : memref<4x2x64xi32, #tpu.memory_space<vmem>> -> memref<1x1x64xi32, #tpu.memory_space<vmem>>
      %dma_start3A_255 = tpu.memref_squeeze %dma_start3A_254 : memref<1x1x64xi32, #tpu.memory_space<vmem>> -> memref<64xi32, #tpu.memory_space<vmem>>
      %dma_start3A_256 = arith.constant 0 : i32
      %dma_start3A_257 = arith.constant 0 : i32
      %dma_start3A_258 = tpu.memref_slice %arg12[%dma_start3A_256, %dma_start3A_257] : memref<10240x128xf32, #tpu.memory_space<vmem_shared>> -> memref<10240x128xf32, #tpu.memory_space<vmem_shared>>
      tpu.enqueue_indirect_dma source(%arg10 : memref<64x128xf32, #tpu.memory_space<vmem>>) target(%dma_start3A_258 : memref<10240x128xf32, #tpu.memory_space<vmem_shared>>) offsets(%dma_start3A_255 : memref<64xi32, #tpu.memory_space<vmem>>) semaphore(%arg21 : memref<!tpu.dma_semaphore, #tpu.memory_space<semaphore_mem>>) {add = true}
      %dma_wait3A_259 = arith.constant 3 : i32
      %dma_wait3A_260 = arith.constant 0 : i32
      %dma_wait3A_261 = arith.constant 0 : i32
      %dma_wait3A_262 = tpu.memref_slice %arg7[%dma_wait3A_259, %dma_wait3A_260, %dma_wait3A_261] : memref<4x2x64xi32, #tpu.memory_space<vmem>> -> memref<1x1x64xi32, #tpu.memory_space<vmem>>
      %dma_wait3A_263 = tpu.memref_squeeze %dma_wait3A_262 : memref<1x1x64xi32, #tpu.memory_space<vmem>> -> memref<64xi32, #tpu.memory_space<vmem>>
      %dma_wait3A_264 = arith.constant 0 : i32
      %dma_wait3A_265 = arith.constant 0 : i32
      %dma_wait3A_266 = tpu.memref_slice %arg2[%dma_wait3A_264, %dma_wait3A_265] : memref<10000x128xf32, #tpu.memory_space<hbm>> -> memref<10000x128xf32, #tpu.memory_space<hbm>>
      tpu.wait_indirect_dma semaphore(%arg18 : memref<!tpu.dma_semaphore, #tpu.memory_space<semaphore_mem>>) src(%dma_wait3A_266 : memref<10000x128xf32, #tpu.memory_space<hbm>>) dst(%arg11 : memref<64x128xf32, #tpu.memory_space<vmem>>)
      %dma_start3A_267 = arith.constant 3 : i32
      %dma_start3A_268 = arith.constant 1 : i32
      %dma_start3A_269 = arith.constant 0 : i32
      %dma_start3A_270 = tpu.memref_slice %arg7[%dma_start3A_267, %dma_start3A_268, %dma_start3A_269] : memref<4x2x64xi32, #tpu.memory_space<vmem>> -> memref<1x1x64xi32, #tpu.memory_space<vmem>>
      %dma_start3A_271 = tpu.memref_squeeze %dma_start3A_270 : memref<1x1x64xi32, #tpu.memory_space<vmem>> -> memref<64xi32, #tpu.memory_space<vmem>>
      %dma_start3A_272 = arith.constant 0 : i32
      %dma_start3A_273 = arith.constant 0 : i32
      %dma_start3A_274 = tpu.memref_slice %arg12[%dma_start3A_272, %dma_start3A_273] : memref<10240x128xf32, #tpu.memory_space<vmem_shared>> -> memref<10240x128xf32, #tpu.memory_space<vmem_shared>>
      tpu.enqueue_indirect_dma source(%arg11 : memref<64x128xf32, #tpu.memory_space<vmem>>) target(%dma_start3A_274 : memref<10240x128xf32, #tpu.memory_space<vmem_shared>>) offsets(%dma_start3A_271 : memref<64xi32, #tpu.memory_space<vmem>>) semaphore(%arg22 : memref<!tpu.dma_semaphore, #tpu.memory_space<semaphore_mem>>) {add = true}
      %dma_wait3A_275 = arith.constant 0 : i32
      %dma_wait3A_276 = arith.constant 1 : i32
      %dma_wait3A_277 = arith.constant 0 : i32
      %dma_wait3A_278 = tpu.memref_slice %arg7[%dma_wait3A_275, %dma_wait3A_276, %dma_wait3A_277] : memref<4x2x64xi32, #tpu.memory_space<vmem>> -> memref<1x1x64xi32, #tpu.memory_space<vmem>>
      %dma_wait3A_279 = tpu.memref_squeeze %dma_wait3A_278 : memref<1x1x64xi32, #tpu.memory_space<vmem>> -> memref<64xi32, #tpu.memory_space<vmem>>
      %dma_wait3A_280 = arith.constant 0 : i32
      %dma_wait3A_281 = arith.constant 0 : i32
      %dma_wait3A_282 = tpu.memref_slice %arg12[%dma_wait3A_280, %dma_wait3A_281] : memref<10240x128xf32, #tpu.memory_space<vmem_shared>> -> memref<10240x128xf32, #tpu.memory_space<vmem_shared>>
      tpu.wait_indirect_dma semaphore(%arg19 : memref<!tpu.dma_semaphore, #tpu.memory_space<semaphore_mem>>) src(%arg8 : memref<64x128xf32, #tpu.memory_space<vmem>>) dst(%dma_wait3A_282 : memref<10240x128xf32, #tpu.memory_space<vmem_shared>>)
      %dma_wait3A_283 = arith.constant 1 : i32
      %dma_wait3A_284 = arith.constant 1 : i32
      %dma_wait3A_285 = arith.constant 0 : i32
      %dma_wait3A_286 = tpu.memref_slice %arg7[%dma_wait3A_283, %dma_wait3A_284, %dma_wait3A_285] : memref<4x2x64xi32, #tpu.memory_space<vmem>> -> memref<1x1x64xi32, #tpu.memory_space<vmem>>
      %dma_wait3A_287 = tpu.memref_squeeze %dma_wait3A_286 : memref<1x1x64xi32, #tpu.memory_space<vmem>> -> memref<64xi32, #tpu.memory_space<vmem>>
      %dma_wait3A_288 = arith.constant 0 : i32
      %dma_wait3A_289 = arith.constant 0 : i32
      %dma_wait3A_290 = tpu.memref_slice %arg12[%dma_wait3A_288, %dma_wait3A_289] : memref<10240x128xf32, #tpu.memory_space<vmem_shared>> -> memref<10240x128xf32, #tpu.memory_space<vmem_shared>>
      tpu.wait_indirect_dma semaphore(%arg20 : memref<!tpu.dma_semaphore, #tpu.memory_space<semaphore_mem>>) src(%arg9 : memref<64x128xf32, #tpu.memory_space<vmem>>) dst(%dma_wait3A_290 : memref<10240x128xf32, #tpu.memory_space<vmem_shared>>)
      %dma_wait3A_291 = arith.constant 2 : i32
      %dma_wait3A_292 = arith.constant 1 : i32
      %dma_wait3A_293 = arith.constant 0 : i32
      %dma_wait3A_294 = tpu.memref_slice %arg7[%dma_wait3A_291, %dma_wait3A_292, %dma_wait3A_293] : memref<4x2x64xi32, #tpu.memory_space<vmem>> -> memref<1x1x64xi32, #tpu.memory_space<vmem>>
      %dma_wait3A_295 = tpu.memref_squeeze %dma_wait3A_294 : memref<1x1x64xi32, #tpu.memory_space<vmem>> -> memref<64xi32, #tpu.memory_space<vmem>>
      %dma_wait3A_296 = arith.constant 0 : i32
      %dma_wait3A_297 = arith.constant 0 : i32
      %dma_wait3A_298 = tpu.memref_slice %arg12[%dma_wait3A_296, %dma_wait3A_297] : memref<10240x128xf32, #tpu.memory_space<vmem_shared>> -> memref<10240x128xf32, #tpu.memory_space<vmem_shared>>
      tpu.wait_indirect_dma semaphore(%arg21 : memref<!tpu.dma_semaphore, #tpu.memory_space<semaphore_mem>>) src(%arg10 : memref<64x128xf32, #tpu.memory_space<vmem>>) dst(%dma_wait3A_298 : memref<10240x128xf32, #tpu.memory_space<vmem_shared>>)
      %dma_wait3A_299 = arith.constant 3 : i32
      %dma_wait3A_300 = arith.constant 1 : i32
      %dma_wait3A_301 = arith.constant 0 : i32
      %dma_wait3A_302 = tpu.memref_slice %arg7[%dma_wait3A_299, %dma_wait3A_300, %dma_wait3A_301] : memref<4x2x64xi32, #tpu.memory_space<vmem>> -> memref<1x1x64xi32, #tpu.memory_space<vmem>>
      %dma_wait3A_303 = tpu.memref_squeeze %dma_wait3A_302 : memref<1x1x64xi32, #tpu.memory_space<vmem>> -> memref<64xi32, #tpu.memory_space<vmem>>
      %dma_wait3A_304 = arith.constant 0 : i32
      %dma_wait3A_305 = arith.constant 0 : i32
      %dma_wait3A_306 = tpu.memref_slice %arg12[%dma_wait3A_304, %dma_wait3A_305] : memref<10240x128xf32, #tpu.memory_space<vmem_shared>> -> memref<10240x128xf32, #tpu.memory_space<vmem_shared>>
      tpu.wait_indirect_dma semaphore(%arg22 : memref<!tpu.dma_semaphore, #tpu.memory_space<semaphore_mem>>) src(%arg11 : memref<64x128xf32, #tpu.memory_space<vmem>>) dst(%dma_wait3A_306 : memref<10240x128xf32, #tpu.memory_space<vmem_shared>>)
    }
    %scan3A_18 = arith.constant 20 : i32
    %barrier3A_19 = arith.constant 0 : index
    tpu.barrier barrier_id(%barrier3A_19)
    "tpu.region"() ({
      %run_scoped3A = tpu.sem_alloc : memref<!tpu.dma_semaphore, #tpu.memory_space<semaphore_mem>>
      %dma_start3A_20 = arith.constant 0 : i32
      %dma_start3A_21 = tpu.memref_slice %arg5[%arg0, %mul3A_2, %dma_start3A_20] : memref<2x10240x128xf32, #tpu.memory_space<hbm>> -> memref<1x640x128xf32, #tpu.memory_space<hbm>>
      %dma_start3A_22 = tpu.memref_squeeze %dma_start3A_21 : memref<1x640x128xf32, #tpu.memory_space<hbm>> -> memref<640x128xf32, #tpu.memory_space<hbm>>
      %dma_start3A_23 = arith.constant 0 : i32
      %dma_start3A_24 = tpu.memref_slice %arg12[%mul3A_2, %dma_start3A_23] : memref<10240x128xf32, #tpu.memory_space<vmem_shared>> -> memref<640x128xf32, #tpu.memory_space<vmem_shared>>
      tpu.enqueue_dma source(%dma_start3A_24 : memref<640x128xf32, #tpu.memory_space<vmem_shared>>) target(%dma_start3A_22 : memref<640x128xf32, #tpu.memory_space<hbm>>) target_semaphore(%run_scoped3A : memref<!tpu.dma_semaphore, #tpu.memory_space<semaphore_mem>>)
      %dma_wait3A = arith.constant 0 : i32
      %dma_wait3A_25 = tpu.memref_slice %arg5[%arg0, %mul3A_2, %dma_wait3A] : memref<2x10240x128xf32, #tpu.memory_space<hbm>> -> memref<1x640x128xf32, #tpu.memory_space<hbm>>
      %dma_wait3A_26 = tpu.memref_squeeze %dma_wait3A_25 : memref<1x640x128xf32, #tpu.memory_space<hbm>> -> memref<640x128xf32, #tpu.memory_space<hbm>>
      %dma_wait3A_27 = arith.constant 0 : i32
      %dma_wait3A_28 = tpu.memref_slice %arg12[%mul3A_2, %dma_wait3A_27] : memref<10240x128xf32, #tpu.memory_space<vmem_shared>> -> memref<640x128xf32, #tpu.memory_space<vmem_shared>>
      tpu.wait_dma2 semaphore(%run_scoped3A : memref<!tpu.dma_semaphore, #tpu.memory_space<semaphore_mem>>) src(%dma_wait3A_28 : memref<640x128xf32, #tpu.memory_space<vmem_shared>>) dst(%dma_wait3A_26 : memref<640x128xf32, #tpu.memory_space<hbm>>)
      tpu.yield
    }) : () -> ()
    return
  }
}

module attributes {stable_mosaic.version = 14 : i64} {
  func.func @_tc_body(%arg0: i32, %arg1: memref<2x1000x128xf32, #tpu.memory_space<vmem>>, %arg2: memref<128x128xf32, #tpu.memory_space<vmem>>, %arg3: memref<1x128xf32, #tpu.memory_space<vmem>>, %arg4: memref<1000x128xf32, #tpu.memory_space<vmem>>) attributes {dimension_semantics = [#tpu.dimension_semantics<arbitrary>], iteration_bounds = array<i64: 10>, scalar_prefetch = 0 : i64, scratch_operands = 0 : i64, tpu.core_type = #tpu.core_type<tc>, window_params = [{transform_indices = @transform_0, window_bounds = array<i64: 2, 1000, 128>}, {pipeline_mode = #tpu.pipeline_mode<synchronous>, transform_indices = @transform_1, window_bounds = array<i64: 128, 128>}, {pipeline_mode = #tpu.pipeline_mode<synchronous>, transform_indices = @transform_2, window_bounds = array<i64: 1, 128>}, {transform_indices = @transform_3, window_bounds = array<i64: 1000, 128>}]} {
    %get3A = arith.constant 0 : index
    %get3A_0 = arith.constant 0 : index
    %get3A_1 = arith.constant 0 : index
    %get3A_2 = vector.load %arg1[%get3A, %get3A_0, %get3A_1] : memref<2x1000x128xf32, #tpu.memory_space<vmem>>, vector<1x1000x128xf32>
    %get3A_3 = vector.shape_cast %get3A_2 : vector<1x1000x128xf32> to vector<1000x128xf32>
    %get3A_4 = arith.constant 1 : index
    %get3A_5 = arith.constant 0 : index
    %get3A_6 = arith.constant 0 : index
    %get3A_7 = vector.load %arg1[%get3A_4, %get3A_5, %get3A_6] : memref<2x1000x128xf32, #tpu.memory_space<vmem>>, vector<1x1000x128xf32>
    %get3A_8 = vector.shape_cast %get3A_7 : vector<1x1000x128xf32> to vector<1000x128xf32>
    %add3A = arith.addf %get3A_3, %get3A_8 : vector<1000x128xf32>
    %get3A_9 = arith.constant 0 : index
    %get3A_10 = arith.constant 0 : index
    %get3A_11 = vector.load %arg2[%get3A_9, %get3A_10] : memref<128x128xf32, #tpu.memory_space<vmem>>, vector<128x128xf32>
    %dot_general3A = arith.constant dense<0.000000e+00> : vector<1000x128xf32>
    %dot_general3A_12 = tpu.matmul %add3A, %get3A_11, %dot_general3A {dimension_numbers = #tpu.dot_dimension_numbers<[1], [0], [0], [1], [0, 0, 1, 1], [], []>, transpose_lhs_hint = false} : vector<1000x128xf32>, vector<128x128xf32>, vector<1000x128xf32> -> vector<1000x128xf32>
    %get3A_13 = arith.constant 0 : index
    %get3A_14 = arith.constant 0 : index
    %get3A_15 = vector.load %arg3[%get3A_13, %get3A_14] : memref<1x128xf32, #tpu.memory_space<vmem>>, vector<1x128xf32>
    %add3A_16 = vector.broadcast %get3A_15 : vector<1x128xf32> to vector<1000x128xf32>
    %add3A_17 = arith.addf %dot_general3A_12, %add3A_16 : vector<1000x128xf32>
    %swap3A = arith.constant 0 : index
    %swap3A_18 = arith.constant 0 : index
    %swap3A_19 = vector.load %arg4[%swap3A, %swap3A_18] : memref<1000x128xf32, #tpu.memory_space<vmem>>, vector<1000x128xf32>
    tpu.vector_store %arg4[%swap3A, %swap3A_18], %add3A_17 {strides = array<i32>} : memref<1000x128xf32, #tpu.memory_space<vmem>>, vector<1000x128xf32>,
    return
  }
  func.func @transform_0(%arg0: i32) -> (i32, i32, i32) {
    %c0_i32 = arith.constant 0 : i32
    %c0_i32_0 = arith.constant 0 : i32
    %c0_i32_1 = arith.constant 0 : i32
    return %c0_i32, %arg0, %c0_i32_0 : i32, i32, i32
  }
  func.func @transform_1(%arg0: i32) -> (i32, i32) {
    %c0_i32 = arith.constant 0 : i32
    %c0_i32_0 = arith.constant 0 : i32
    %c0_i32_1 = arith.constant 0 : i32
    return %c0_i32, %c0_i32_0 : i32, i32
  }
  func.func @transform_2(%arg0: i32) -> (i32, i32) {
    %c0_i32 = arith.constant 0 : i32
    %c0_i32_0 = arith.constant 0 : i32
    %c0_i32_1 = arith.constant 0 : i32
    return %c0_i32, %c0_i32_0 : i32, i32
  }
  func.func @transform_3(%arg0: i32) -> (i32, i32) {
    %c0_i32 = arith.constant 0 : i32
    %c0_i32_0 = arith.constant 0 : i32
    return %arg0, %c0_i32 : i32, i32
  }
}

</mosaic_0001>

<sc_bundles>
// kernel: kernel.4.cloned.1.call-start
scs
__scs_entry_jumppad:
0x0: {  	(pc) =	sbr.rel $0x88, $3  }
0x1: {  	(tag) =	ssettag $0x0;
	lr =	simm.s32 $0x1  }
0x2: {  	[smem:$0x3F9D] =	sst lr;
	_ =	strace $0xD0000000  }
0x3: {  	_ = 	snop  }
0x4: {  	_ = 	snop  }
0x5: {  	_ = 	snop  }
0x6: {  	_ = 	snop  }
0x7: {  	_ = 	snop  }
__scs_overlays_trampoline_lowered:
0x8: {  	[smem:$0x3FAC] =	sst s0  }
0x9: {  	[smem:$0x3FAD] =	sst s1  }
0xa: {  	[smem:$0x3FAE] =	sst s2  }
0xb: {  	[smem:$0x3FAF] =	sst s3  }
0xc: {  	[smem:$0x3FB0] =	sst s4  }
0xd: {  	[smem:$0x3FB1] =	sst s5  }
0xe: {  	[smem:$0x3FB2] =	sst s6  }
0xf: {  	[smem:$0x3FB3] =	sst s7  }
0x10: {  	[smem:$0x3FB4] =	sst s8  }
0x11: {  	[smem:$0x3FB5] =	sst s9;
	s0 =	simm.s32 @!p0 $0x0  }
0x12: {  	s1 =	sld [smem:$0x3F9B];
	s0 =	simm.s32 @p0 $0x1  }
0x13: {  	[smem:$0x3FB6] =	sst s0;
	s0 =	simm.s32 @!p1 $0x0  }
0x14: {  	s2 =	sld [smem:$0x3F9A];
	s0 =	simm.s32 @p1 $0x1  }
0x15: {  	[smem:$0x3FB7] =	sst s0;
	s0 =	simm.s32 @!p2 $0x0  }
0x16: {  	s3 =	sld [smem:$0x3FDB];
	s0 =	simm.s32 @p2 $0x1  }
0x17: {  	s4 =	simm.s32 $0x1BF5;
	[smem:$0x3FB9] =	sst s0  }
0x18: {  	s0 =	sld [smem:$0x3F9C];
	_ =	swait.ge [sflag:s4], $0x0  }
0x19: {  	s7 =	sld [smem:$0x3F9D]  }
0x1a: {  	s8 =	sadd.s32 $0xFFFFE003, lr  }
0x1b: {  	s9 =	sadd.s32 $0xFFFFFEF7, lr;
	s5 =	simm.s32 $0xFFFFFFFF;
	p2 =	slt.u32 s8, $0xFFFFF086  }
0x1c: {  	p1 =	slt.u32 s9, $0xF7A;
	s5 =	simm.s32 @!p2 $0x0  }
0x1d: {  	s5 =	simm.s32 @p1 $0x1;
	p0 =	seq.s32 s7, s2  }
0x1e: {  	s7 =	smul.u32 @!p0 $0xF7A, s2;
	p2 =	seq.s32 @!p0 s5, $0x0  }
0x1f: {  	s9 =	smul.u32 $0xF7A, s1;
	s8 =	simm.s32 @!p0 $0x1BF5;
	p2 =	por !p2, p0  }
0x20: {  	[sflag:s8] =	ssyncset.s32 @!p0 $0xFFFFF086;
	s6 =	sadd.s32 @!p0 s3, s7;
	s7 =	simm.s32 @!p0 $0x108  }
0x21: {  	s3 =	sadd.s32 s3, s9;
	s6 =	sadd.s32 @!p0 $0x88, s6;
	s7 =	simm.s32 @p2 $0x1082  }
0x22: {  	[simem:s7], [sflag:s8] =	dma.local @!p0 [hbm:s6], $0xF7A  }
0x23: {  	s9 =	sor.u32 $0xD0000000, s2;
	s6 =	simm.s32 $0x108;
	_ =	swait.ge @!p0 [sflag:s8], $0x0  }
0x24: {  	s3 =	sadd.s32 $0x88, s3;
	s6 =	simm.s32 @!p1 $0x1082;
	[sflag:s4] =	ssyncset.s32 $0xFFFFF086  }
0x25: {  	[simem:s6], [sflag:s4] =	dma.local [hbm:s3], $0xF7A  }
0x26: {  	[smem:$0x3F9D] =	sst s1;
	(tag) =	ssettag s2;
	_ =	strace s9  }
0x27: {  	s1 =	sld [smem:$0x3FAD]  }
0x28: {  	s2 =	sld [smem:$0x3FAE]  }
0x29: {  	s4 =	sld [smem:$0x3FB0]  }
0x2a: {  	p0 =	seq.s32 s5, $0x0;
	s5 =	sld [smem:$0x3FB1]  }
0x2b: {  	s6 =	sld [smem:$0x3FB2]  }
0x2c: {  	s7 =	sld [smem:$0x3FB3]  }
0x2d: {  	s3 =	simm.s32 $0x108;
	s8 =	sld [smem:$0x3FB4]  }
0x2e: {  	s3 =	simm.s32 @!p0 $0x1082;
	s9 =	sld [smem:$0x3FB5]  }
0x2f: {  	lr =	sadd.s32 s0, s3;
	s0 =	sld [smem:$0x3FAC]  }
0x30: {  	s3 =	sld [smem:$0x3FAF]  }
0x31: {  	[smem:$0x3FB8] =	sst s10  }
0x32: {  	s10 =	sld [smem:$0x3FB6];
	_ =	sdelay $0x3  }
0x33: {  	p0 =	seq.s32 s10, $0x1;
	s10 =	sld [smem:$0x3FB8];
	_ =	sdelay $0x3  }
0x34: {  	[smem:$0x3FB8] =	sst s10  }
0x35: {  	s10 =	sld [smem:$0x3FB7];
	_ =	sdelay $0x3  }
0x36: {  	p1 =	seq.s32 s10, $0x1;
	s10 =	sld [smem:$0x3FB8];
	_ =	sdelay $0x3  }
0x37: {  	[smem:$0x3FB8] =	sst s10  }
0x38: {  	s10 =	sld [smem:$0x3FB9]  }
0x39: {  	_ = 	snop;
	(pc) =	sbr.ind lr, $3  }
0x3a: {  	_ = 	snop  }
0x3b: {  	_ = 	snop  }
0x3c: {  	p2 =	seq.s32 s10, $0x1;
	s10 =	sld [smem:$0x3FB8]  }
0x3d: {  	_ =	shalt  }
0x3e: {  	_ =	shalt  }
0x3f: {  	_ =	shalt  }
0x40: {  	_ =	shalt  }
0x41: {  	_ =	shalt  }
0x42: {  	_ =	shalt  }
0x43: {  	_ =	shalt  }
0x44: {  	_ =	shalt  }
0x45: {  	_ =	shalt  }
0x46: {  	_ =	shalt  }
0x47: {  	_ =	shalt  }
0x48: {  	_ =	shalt  }
0x49: {  	_ =	shalt  }
0x4a: {  	_ =	shalt  }
0x4b: {  	_ =	shalt  }
0x4c: {  	_ =	shalt  }
0x4d: {  	_ =	shalt  }
0x4e: {  	_ =	shalt  }
0x4f: {  	_ =	shalt  }
0x50: {  	_ =	shalt  }
0x51: {  	_ =	shalt  }
0x52: {  	_ =	shalt  }
0x53: {  	_ =	shalt  }
0x54: {  	_ =	shalt  }
0x55: {  	_ =	shalt  }
0x56: {  	_ =	shalt  }
0x57: {  	_ =	shalt  }
0x58: {  	_ =	shalt  }
0x59: {  	_ =	shalt  }
0x5a: {  	_ =	shalt  }
0x5b: {  	_ =	shalt  }
0x5c: {  	_ =	shalt  }
0x5d: {  	_ =	shalt  }
0x5e: {  	_ =	shalt  }
0x5f: {  	_ =	shalt  }
0x60: {  	_ =	shalt  }
0x61: {  	_ =	shalt  }
0x62: {  	_ =	shalt  }
0x63: {  	_ =	shalt  }
0x64: {  	_ =	shalt  }
0x65: {  	_ =	shalt  }
0x66: {  	_ =	shalt  }
0x67: {  	_ =	shalt  }
0x68: {  	_ =	shalt  }
0x69: {  	_ =	shalt  }
0x6a: {  	_ =	shalt  }
0x6b: {  	_ =	shalt  }
0x6c: {  	_ =	shalt  }
0x6d: {  	_ =	shalt  }
0x6e: {  	_ =	shalt  }
0x6f: {  	_ =	shalt  }
0x70: {  	_ =	shalt  }
0x71: {  	_ =	shalt  }
0x72: {  	_ =	shalt  }
0x73: {  	_ =	shalt  }
0x74: {  	_ =	shalt  }
0x75: {  	_ =	shalt  }
0x76: {  	_ =	shalt  }
0x77: {  	_ =	shalt  }
0x78: {  	_ =	shalt  }
0x79: {  	_ =	shalt  }
0x7a: {  	_ =	shalt  }
0x7b: {  	_ =	shalt  }
0x7c: {  	_ =	shalt  }
0x7d: {  	_ =	shalt  }
0x7e: {  	_ =	shalt  }
0x7f: {  	_ =	shalt  }
0x80: {  	_ =	shalt  }
0x81: {  	_ =	shalt  }
0x82: {  	_ =	shalt  }
0x83: {  	_ =	shalt  }
0x84: {  	_ =	shalt  }
0x85: {  	_ =	shalt  }
0x86: {  	_ =	shalt  }
0x87: {  	_ =	shalt  }
.Lfunc_end0:
.L_simem_size_0:
called_computation_lowered:
.L_overlay_start_0:
0x88: {  	s2 =	sld [smem:$0x3FD9]  }
0x89: {  	s3 =	sld [smem:$0x3FFE];
	_ =	sdelay $0x1  }
0x8a: {  	s1 =	srdreg.scid  }
0x8b: {  	s0 =	sand.u32 $0x1, s1  }
0x8c: {  	s17 =	sshll.u32 s0, $0xA;
	s2 =	sadd.s32 s3, s2  }
0x8d: {  	s2 =	sadd.s32 s2, s17  }
0x8e: {  	[smem:$0x3FC4] =	sst s2  }
0x8f: {  	_ = 	snop  }
0x90: {  	s2 =	sld [smem:$0x3FC9]  }
0x91: {  	s18 =	sld [smem:$0x3FD0];
	(tm) =	ssettm $0x1  }
0x92: {  	s4 =	sld [smem:$0x3FFB];
	_ =	sdelay $0x3  }
0x93: {  	_ =	strace s4  }
0x94: {  	s4 =	sld [smem:$0x3FFC];
	_ =	sdelay $0x3  }
0x95: {  	_ =	strace s4  }
0x96: {  	s4 =	sld [smem:$0x3FFD];
	_ =	sdelay $0x3  }
0x97: {  	_ =	strace s4  }
0x98: {  	_ =	strace $0x8FFFFFFF  }
0x99: {  	s19 =	sld [smem:$0x3FDB];
	_ =	sdelay $0x1  }
0x9a: {  	s5 =	simm.s32 $_scs_section_size  }
0x9b: {  	s6 =	simm.s32 $_size__tile_overlayer_lowered;
	s7 =	simm.s32 $_tile_overlayer_lowered  }
0x9c: {  	s22 =	simm.s32 $0x1BFF;
	s21 =	sshll.u32 s7, $0x1;
	s4 =	sadd.s32 s5, s19  }
0x9d: {  	s8 =	simm.s32 $0x0;
	s20 =	sshll.u32 s6, $0x1;
	s6 =	sadd.s32 s21, s4  }
0x9e: {  	[timem:s8], [sflag:s22] =	dma.local [hbm:s6], s20  }
0x9f: {  	_ =	swait.ge [sflag:s22], s20  }
0xa0: {  	s5 =	ssub.s32 $0x0, s20;
	[sflag:s22] =	ssyncset.done $0x0  }
0xa1: {  	[sflag:s22] =	ssyncadd.s32 s5;
	_ =	sdelay $0x1  }
0xa2: {  	s23 =	simm.s32 $0x1B8B  }
0xa3: {  	_ =	swait.ge [sflag:s23], $0x1  }
0xa4: {  	[sflag:s23] =	ssyncset.done $0x0  }
0xa5: {  	s25 =	simm.s32 $0x1B8E;
	s24 =	sld [smem:$0x3FFE];
	[sflag:s23] =	ssyncadd.s32 $0xFFFFFFFF  }
0xa6: {  	s26 =	simm.s32 $execute0_lowered;
	[smem:$0x3FD2] =	sst s25  }
0xa7: {  	s6 =	sshll.u32 s26, $0x1;
	_ =	strace $0x80000046;
	[dreg:$0x1] =	wrdreg $0xFFFFFFFF  }
0xa8: {  	s28 =	simm.s32 $_size_execute0_lowered;
	s4 =	sadd.s32 s4, s6;
	[dreg:$0x0] =	wrdreg $0x0  }
0xa9: {  	s6 =	sshll.u32 s28, $0x1;
	[dreg:$0x2] =	wrdreg s4  }
0xaa: {  	[dreg:$0x3] =	wrdreg s6  }
0xab: {  	[dreg:$0x4] =	wrdreg $0xC0  }
0xac: {  	_ =	task [dreg:s8], $0x5FFFF  }
0xad: {  	[dreg:$0x1] =	wrdreg $0xFFFFFFFF  }
0xae: {  	[dreg:$0x0] =	wrdreg $0x60  }
0xaf: {  	[dreg:$0x2] =	wrdreg s2  }
0xb0: {  	[dreg:$0x3] =	wrdreg s24  }
0xb1: {  	[dreg:$0x4] =	wrdreg s18  }
0xb2: {  	[dreg:$0x5] =	wrdreg $0x88000  }
0xb3: {  	[dreg:$0x6] =	wrdreg $0x9  }
0xb4: {  	_ =	task.clear_ibuf [dreg:s8], $0x7FFFF;
	_ =	strace $0x90000046  }
0xb5: {  	s29 =	simm.s32 $0x9;
	_ =	strace $0x80000048  }
0xb6: {  	_ =	swait.ge [sflag:s29], $0x1  }
0xb7: {  	[sflag:s29] =	ssyncadd.s32 $0xFFFFFFFF  }
0xb8: {  	_ =	strace $0x90000048  }
0xb9: {  	_ =	sfence  }
0xba: {  	s30 =	sld [smem:$0x0];
	_ =	sdelay $0x2  }
0xbb: {  	s31 =	sshll.u32 s1, $0xD;
	s1 =	sshrl.u32 s1, $0x2  }
0xbc: {  	s3 =	sand.u32 $0x4000, s31;
	s1 =	sadd.s32 s1, s30  }
0xbd: {  	s0 =	sor.u32 s3, s0;
	s1 =	sshll.u32 s1, $0x11  }
0xbe: {  	s0 =	sor.u32 s1, s0  }
0xbf: {  	s0 =	sadd.s32 $0x8F2B, s0  }
0xc0: {  	[sflag:s0] =	ssyncadd.remote.s32 $0x1  }
0xc1: {  	_ =	sfence.sel $0xFFFF  }
0xc2: {  	[dreg:$0x0] =	wrdreg $0xFFFFFFFF;
	(pc) =	sbr.abs _section_cstart, $3  }
0xc3: {  	[dreg:$0x1] =	wrdreg $0xFFFFFFFF  }
0xc4: {  	_ =	task.clear_ibuf [dreg:s8], $0x2FFFF;
	_ =	strace $0x9FFFFFFF  }
0xc5: {  	(tm) =	ssettm $0x7FFFFFFF  }
tec
execute0_lowered:
.L_overlay_start_1:
0x0: {  	(tag) =	ssettag $0x1  }
0x1: {  	s1 =	rddreg [dreg:$0x0]  }
0x2: {  	s0 =	rddreg [dreg:$0x1]  }
0x3: {  	s4 =	rddreg [dreg:$0x3]  }
0x4: {  	s2 =	srdreg.scid;
	s12 =	stileid.u32  }
0x5: {  	s5 =	simm.s32 $0x0;
	s20 =	simm.s32 $0x100;
	s21 =	simm.s32 $0x200  }
0x6: {  	s22 =	simm.s32 $0x300;
	s23 =	simm.s32 $0x80;
	s24 =	simm.s32 $0x180  }
0x7: {  	s25 =	simm.s32 $0x280;
	s28 =	simm.s32 $0x2;
	s29 =	simm.s32 $0x500  }
0x8: {  	s30 =	simm.s32 $0x600;
	s31 =	simm.s32 $0x700;
	s7 =	smul.u32 $0x14000, s12  }
0x9: {  	s2 =	sand.u32 $0x1, s2;
	[smem:$0x7FF] =	sst s5;
	s8 =	smul.u32 $0x50000, s12  }
0xa: {  	s10 =	smul.u32 $0xA000, s12;
	_ =	strace $0x80000047;
	[dreg:$0x7] =	wrdreg s20  }
0xb: {  	s11 =	sadd.s32 $0x200, s0;
	s17 =	sshll.u32 s12, $0x6;
	[dreg:$0x8] =	wrdreg s21  }
0xc: {  	s3 =	smul.u32 $0x140000, s2;
	s6 =	sshll.u32 s2, $0x4;
	[dreg:$0x9] =	wrdreg s22  }
0xd: {  	s26 =	ssub.s32 $0x2, s2;
	s2 =	smul.u32 $0xA0000, s2;
	[dreg:$0xa] =	wrdreg s23  }
0xe: {  	s20 =	simm.s32 $0x4;
	[dreg:$0xb] =	wrdreg s24;
	s21 =	simm.s32 $0x5  }
0xf: {  	[dreg:$0xc] =	wrdreg s25;
	s22 =	simm.s32 $0x6;
	s23 =	simm.s32 $0x7  }
0x10: {  	s24 =	simm.s32 $0x8;
	s25 =	simm.s32 $0x9;
	s6 =	sor.u32 s12, s6  }
0x11: {  	s9 =	sshrl.u32 s26, $0x1;
	s14 =	sshrl.u32 s8, $0x2;
	s8 =	sor.u32 $0x1C0B, s17  }
0x12: {  	s12 =	simm.s32 $0x1;
	s17 =	simm.s32 $0x6800;
	s6 =	smul.u32 $0xA000, s6  }
0x13: {  	s3 =	sadd.s32 s7, s3;
	s13 =	ssub.s32 s26, s9;
	s2 =	sadd.s32 s10, s2  }
0x14: {  	s15 =	sadd.s32 s14, s4;
	s10 =	simm.s32 $0xB;
	s14 =	simm.s32 $0x800  }
0x15: {  	s26 =	simm.s32 $0x380;
	[dreg:$0xf] =	wrdreg s8;
	s3 =	sshrl.u32 s3, $0x3  }
0x16: {  	s16 =	sor.u32 $0x800, s2;
	s2 =	sshrl.u32 s2, $0x3;
	s19 =	smax.u32 s13, $0x1  }
0x17: {  	s9 =	sshrl.u32 s15, $0x3;
	s13 =	simm.s32 $0x40;
	s15 =	simm.s32 $0x2800  }
0x18: {  	[dreg:$0xd] =	wrdreg s26;
	s26 =	simm.s32 $0xA;
	s0 =	sadd.s32 s3, s0  }
0x19: {  	s6 =	sshrl.u32 s6, $0x3;
	s7 =	sshrl.u32 s16, $0x3;
	[dreg:$0x11] =	wrdreg s19  }
0x1a: {  	s2 =	sadd.s32 s2, s11;
	[dreg:$0x12] =	wrdreg s9;
	s6 =	sadd.s32 s11, s6  }
0x1b: {  	s16 =	simm.s32 $0x4800;
	s0 =	sadd.s32 $0x28200, s0;
	[dreg:$0xe] =	wrdreg s6  }
0x1c: {  	s19 =	simm.s32 $0x3;
	s7 =	sadd.s32 s7, s11;
	[dreg:$0x10] =	wrdreg s0  }
0x1d: {  	s3 =	simm.s32 $0x580;
	s18 =	sadd.s32 $0x80, s2;
	[dreg:$0x5] =	wrdreg s7  }
0x1e: {  	s2 =	simm.s32 $0x680;
	s11 =	simm.s32 $0x0;
	[dreg:$0x6] =	wrdreg s18  }
0x1f: {  	s18 =	simm.s32 $0x400;
	s0 =	simm.s32 $0x480;
	s6 =	simm.s32 $0x780  }
.LBB2_1:
0x20: {  	[dreg:$0x13] =	wrdreg s11  }
0x21: {  	s7 =	rddreg [dreg:$0xe]  }
0x22: {  	s11 =	rddreg [dreg:$0x2]  }
0x23: {  	[tilespmem:s5], [sflag:$0x1] =	stream.linear.gather [hbm4b:s7+s5], $0x400, $0x38;
	[tilespmem:$0x1C800] =	vst v63  }
0x24: {  	[spmem:s9], [sflag:s8] =	dma.local [hbm:s11], $0x2800  }
0x25: {  	_ =	swait.ge [sflag:s10], $0x2800  }
0x26: {  	[sflag:s10] =	ssyncset.done $0x0  }
0x27: {  	[sflag:s10] =	ssyncadd.s32 $0xFFFFD800  }
0x28: {  	[bflag:$0x0] =	sbarrier.arrive $0xFFFF  }
0x29: {  	_ =	swait.ge [sflag:s12], $0x400  }
0x2a: {  	[sflag:s12] =	ssyncset.done $0x0  }
0x2b: {  	s10 =	rddreg [dreg:$0x7];
	[sflag:s12] =	ssyncadd.s32 $0xFFFFFC00  }
0x2c: {  	[tilespmem:s14], [sflag:$0x3] =	stream.indirect.gather [hbm4b:s1+s13], $0x80, s5, s13, $0xb8;
	[tilespmem:$0x1C800] =	vst v63  }
0x2d: {  	s11 =	rddreg [dreg:$0x8]  }
0x2e: {  	[tilespmem:s15], [sflag:$0x4] =	stream.indirect.gather [hbm4b:s1+s13], $0x80, s10, s13, $0xb8;
	[tilespmem:$0x1C800] =	vst v63  }
0x2f: {  	s8 =	rddreg [dreg:$0x9]  }
0x30: {  	[tilespmem:s16], [sflag:$0x5] =	stream.indirect.gather [hbm4b:s1+s13], $0x80, s11, s13, $0xb8;
	[tilespmem:$0x1C800] =	vst v63  }
0x31: {  	s10 =	rddreg [dreg:$0x6]  }
0x32: {  	[tilespmem:s17], [sflag:$0x6] =	stream.indirect.gather [hbm4b:s1+s13], $0x80, s8, s13, $0xb8;
	[tilespmem:$0x1C800] =	vst v63  }
0x33: {  	s11 =	sadd.s32 $0x0, s10  }
0x34: {  	[tilespmem:s18], [sflag:$0x2] =	stream.linear.gather [hbm4b:s11+s5], $0x400, $0x38;
	[tilespmem:$0x1C800] =	vst v63  }
0x35: {  	_ =	swait.ge [sflag:s19], $0x2000  }
0x36: {  	[sflag:s19] =	ssyncset.done $0x0  }
0x37: {  	s8 =	rddreg [dreg:$0xa];
	[sflag:s19] =	ssyncadd.s32 $0xFFFFE000  }
0x38: {  	[spmem:s4] =	stream.indirect.scatter.add.f32 [tilespmem:s14], [sflag:$0x7], $0x80, s8, s13, $0xb8;
	[tilespmem:$0x1C800] =	vst v63  }
0x39: {  	_ =	swait.ge [sflag:s20], $0x2000  }
0x3a: {  	[sflag:s20] =	ssyncset.done $0x0  }
0x3b: {  	s9 =	rddreg [dreg:$0xb];
	[sflag:s20] =	ssyncadd.s32 $0xFFFFE000  }
0x3c: {  	[spmem:s4] =	stream.indirect.scatter.add.f32 [tilespmem:s15], [sflag:$0x8], $0x80, s9, s13, $0xb8;
	[tilespmem:$0x1C800] =	vst v63  }
0x3d: {  	_ =	swait.ge [sflag:s21], $0x2000  }
0x3e: {  	[sflag:s21] =	ssyncset.done $0x0  }
0x3f: {  	s10 =	rddreg [dreg:$0xc];
	[sflag:s21] =	ssyncadd.s32 $0xFFFFE000  }
0x40: {  	[spmem:s4] =	stream.indirect.scatter.add.f32 [tilespmem:s16], [sflag:$0x9], $0x80, s10, s13, $0xb8;
	[tilespmem:$0x1C800] =	vst v63  }
0x41: {  	_ =	swait.ge [sflag:s22], $0x2000  }
0x42: {  	[sflag:s22] =	ssyncset.done $0x0  }
0x43: {  	s11 =	rddreg [dreg:$0xd];
	[sflag:s22] =	ssyncadd.s32 $0xFFFFE000  }
0x44: {  	[spmem:s4] =	stream.indirect.scatter.add.f32 [tilespmem:s17], [sflag:$0xA], $0x80, s11, s13, $0xb8;
	[tilespmem:$0x1C800] =	vst v63  }
0x45: {  	_ =	swait.ge [sflag:s23], $0x2000  }
0x46: {  	[sflag:s23] =	ssyncset.done $0x0  }
0x47: {  	[sflag:s23] =	ssyncadd.s32 $0xFFFFE000  }
0x48: {  	_ =	swait.ge [sflag:s24], $0x2000  }
0x49: {  	[sflag:s24] =	ssyncset.done $0x0  }
0x4a: {  	[sflag:s24] =	ssyncadd.s32 $0xFFFFE000  }
0x4b: {  	_ =	swait.ge [sflag:s25], $0x2000  }
0x4c: {  	[sflag:s25] =	ssyncset.done $0x0  }
0x4d: {  	[sflag:s25] =	ssyncadd.s32 $0xFFFFE000  }
0x4e: {  	_ =	swait.ge [sflag:s26], $0x2000  }
0x4f: {  	[sflag:s26] =	ssyncset.done $0x0  }
0x50: {  	[sflag:s26] =	ssyncadd.s32 $0xFFFFE000  }
0x51: {  	_ =	swait.ge [sflag:s28], $0x400  }
0x52: {  	[sflag:s28] =	ssyncset.done $0x0  }
0x53: {  	[sflag:s28] =	ssyncadd.s32 $0xFFFFFC00  }
0x54: {  	[tilespmem:s14], [sflag:$0x3] =	stream.indirect.gather [hbm4b:s1+s13], $0x80, s18, s13, $0xb8;
	[tilespmem:$0x1C800] =	vst v63  }
0x55: {  	_ = 	snop  }
0x56: {  	[tilespmem:s15], [sflag:$0x4] =	stream.indirect.gather [hbm4b:s1+s13], $0x80, s29, s13, $0xb8;
	[tilespmem:$0x1C800] =	vst v63  }
0x57: {  	_ = 	snop  }
0x58: {  	[tilespmem:s16], [sflag:$0x5] =	stream.indirect.gather [hbm4b:s1+s13], $0x80, s30, s13, $0xb8;
	[tilespmem:$0x1C800] =	vst v63  }
0x59: {  	p0 =	por $0x0, $0x0;
	s7 =	rddreg [dreg:$0x5]  }
0x5a: {  	[tilespmem:s17], [sflag:$0x6] =	stream.indirect.gather [hbm4b:s1+s13], $0x80, s31, s13, $0xb8;
	[tilespmem:$0x1C800] =	vst v63  }
0x5b: {  	s9 =	simm.s32 @!p0 $0x0;
	s7 =	sadd.s32 @!p0 $0x0, s7  }
0x5c: {  	[tilespmem:s9], [sflag:$0x1] =	stream.linear.gather @!p0 [hbm4b:s7+s9], $0x400, $0x38;
	[tilespmem:$0x1C800] =	vst v63  }
0x5d: {  	_ =	swait.ge [sflag:s19], $0x2000  }
0x5e: {  	[sflag:s19] =	ssyncset.done $0x0  }
0x5f: {  	[sflag:s19] =	ssyncadd.s32 $0xFFFFE000  }
0x60: {  	[spmem:s4] =	stream.indirect.scatter.add.f32 [tilespmem:s14], [sflag:$0x7], $0x80, s0, s13, $0xb8;
	[tilespmem:$0x1C800] =	vst v63  }
0x61: {  	_ =	swait.ge [sflag:s20], $0x2000  }
0x62: {  	[sflag:s20] =	ssyncset.done $0x0  }
0x63: {  	[sflag:s20] =	ssyncadd.s32 $0xFFFFE000  }
0x64: {  	[spmem:s4] =	stream.indirect.scatter.add.f32 [tilespmem:s15], [sflag:$0x8], $0x80, s3, s13, $0xb8;
	[tilespmem:$0x1C800] =	vst v63  }
0x65: {  	_ =	swait.ge [sflag:s21], $0x2000  }
0x66: {  	[sflag:s21] =	ssyncset.done $0x0  }
0x67: {  	[sflag:s21] =	ssyncadd.s32 $0xFFFFE000  }
0x68: {  	[spmem:s4] =	stream.indirect.scatter.add.f32 [tilespmem:s16], [sflag:$0x9], $0x80, s2, s13, $0xb8;
	[tilespmem:$0x1C800] =	vst v63  }
0x69: {  	_ =	swait.ge [sflag:s22], $0x2000  }
0x6a: {  	[sflag:s22] =	ssyncset.done $0x0  }
0x6b: {  	[sflag:s22] =	ssyncadd.s32 $0xFFFFE000  }
0x6c: {  	[spmem:s4] =	stream.indirect.scatter.add.f32 [tilespmem:s17], [sflag:$0xA], $0x80, s6, s13, $0xb8;
	[tilespmem:$0x1C800] =	vst v63  }
0x6d: {  	_ =	swait.ge [sflag:s23], $0x2000  }
0x6e: {  	[sflag:s23] =	ssyncset.done $0x0  }
0x6f: {  	[sflag:s23] =	ssyncadd.s32 $0xFFFFE000  }
0x70: {  	_ =	swait.ge [sflag:s24], $0x2000  }
0x71: {  	[sflag:s24] =	ssyncset.done $0x0  }
0x72: {  	[sflag:s24] =	ssyncadd.s32 $0xFFFFE000  }
0x73: {  	_ =	swait.ge [sflag:s25], $0x2000  }
0x74: {  	[sflag:s25] =	ssyncset.done $0x0  }
0x75: {  	[sflag:s25] =	ssyncadd.s32 $0xFFFFE000  }
0x76: {  	_ =	swait.ge [sflag:s26], $0x2000  }
0x77: {  	s9 =	simm.s32 $0x100;
	[sflag:s26] =	ssyncset.done $0x0  }
.LBB2_2:
0x78: {  	[sflag:s26] =	ssyncadd.s32 $0xFFFFE000  }
0x79: {  	_ =	swait.ge [sflag:s12], $0x400  }
0x7a: {  	[sflag:s12] =	ssyncset.done $0x0  }
0x7b: {  	s10 =	rddreg [dreg:$0x6];
	[sflag:s12] =	ssyncadd.s32 $0xFFFFFC00  }
0x7c: {  	[tilespmem:s14], [sflag:$0x3] =	stream.indirect.gather [hbm4b:s1+s13], $0x80, s5, s13, $0xb8;
	[tilespmem:$0x1C800] =	vst v63  }
0x7d: {  	s11 =	rddreg [dreg:$0x7]  }
0x7e: {  	[tilespmem:s15], [sflag:$0x4] =	stream.indirect.gather [hbm4b:s1+s13], $0x80, s11, s13, $0xb8;
	[tilespmem:$0x1C800] =	vst v63  }
0x7f: {  	s8 =	rddreg [dreg:$0x8]  }
0x80: {  	[tilespmem:s16], [sflag:$0x5] =	stream.indirect.gather [hbm4b:s1+s13], $0x80, s8, s13, $0xb8;
	[tilespmem:$0x1C800] =	vst v63  }
0x81: {  	s7 =	smov.u32 s9;
	s11 =	rddreg [dreg:$0x9]  }
0x82: {  	[tilespmem:s17], [sflag:$0x6] =	stream.indirect.gather [hbm4b:s1+s13], $0x80, s11, s13, $0xb8;
	[tilespmem:$0x1C800] =	vst v63  }
0x83: {  	s11 =	sadd.s32 s7, s10  }
0x84: {  	[tilespmem:s18], [sflag:$0x2] =	stream.linear.gather [hbm4b:s11+s5], $0x400, $0x38;
	[tilespmem:$0x1C800] =	vst v63  }
0x85: {  	_ =	swait.ge [sflag:s19], $0x2000  }
0x86: {  	[sflag:s19] =	ssyncset.done $0x0  }
0x87: {  	s10 =	rddreg [dreg:$0xa];
	[sflag:s19] =	ssyncadd.s32 $0xFFFFE000  }
0x88: {  	[spmem:s4] =	stream.indirect.scatter.add.f32 [tilespmem:s14], [sflag:$0x7], $0x80, s10, s13, $0xb8;
	[tilespmem:$0x1C800] =	vst v63  }
0x89: {  	_ =	swait.ge [sflag:s20], $0x2000  }
0x8a: {  	[sflag:s20] =	ssyncset.done $0x0  }
0x8b: {  	s11 =	rddreg [dreg:$0xb];
	[sflag:s20] =	ssyncadd.s32 $0xFFFFE000  }
0x8c: {  	[spmem:s4] =	stream.indirect.scatter.add.f32 [tilespmem:s15], [sflag:$0x8], $0x80, s11, s13, $0xb8;
	[tilespmem:$0x1C800] =	vst v63  }
0x8d: {  	_ =	swait.ge [sflag:s21], $0x2000  }
0x8e: {  	[sflag:s21] =	ssyncset.done $0x0  }
0x8f: {  	s10 =	rddreg [dreg:$0xc];
	[sflag:s21] =	ssyncadd.s32 $0xFFFFE000  }
0x90: {  	[spmem:s4] =	stream.indirect.scatter.add.f32 [tilespmem:s16], [sflag:$0x9], $0x80, s10, s13, $0xb8;
	[tilespmem:$0x1C800] =	vst v63  }
0x91: {  	_ =	swait.ge [sflag:s22], $0x2000  }
0x92: {  	[sflag:s22] =	ssyncset.done $0x0  }
0x93: {  	s11 =	rddreg [dreg:$0xd];
	[sflag:s22] =	ssyncadd.s32 $0xFFFFE000  }
0x94: {  	[spmem:s4] =	stream.indirect.scatter.add.f32 [tilespmem:s17], [sflag:$0xA], $0x80, s11, s13, $0xb8;
	[tilespmem:$0x1C800] =	vst v63  }
0x95: {  	_ =	swait.ge [sflag:s23], $0x2000  }
0x96: {  	[sflag:s23] =	ssyncset.done $0x0  }
0x97: {  	[sflag:s23] =	ssyncadd.s32 $0xFFFFE000  }
0x98: {  	_ =	swait.ge [sflag:s24], $0x2000  }
0x99: {  	[sflag:s24] =	ssyncset.done $0x0  }
0x9a: {  	[sflag:s24] =	ssyncadd.s32 $0xFFFFE000  }
0x9b: {  	_ =	swait.ge [sflag:s25], $0x2000  }
0x9c: {  	[sflag:s25] =	ssyncset.done $0x0  }
0x9d: {  	[sflag:s25] =	ssyncadd.s32 $0xFFFFE000  }
0x9e: {  	_ =	swait.ge [sflag:s26], $0x2000  }
0x9f: {  	[sflag:s26] =	ssyncset.done $0x0  }
0xa0: {  	[sflag:s26] =	ssyncadd.s32 $0xFFFFE000  }
0xa1: {  	_ =	swait.ge [sflag:s28], $0x400  }
0xa2: {  	[sflag:s28] =	ssyncset.done $0x0  }
0xa3: {  	[sflag:s28] =	ssyncadd.s32 $0xFFFFFC00  }
0xa4: {  	[tilespmem:s14], [sflag:$0x3] =	stream.indirect.gather [hbm4b:s1+s13], $0x80, s18, s13, $0xb8;
	[tilespmem:$0x1C800] =	vst v63  }
0xa5: {  	_ = 	snop  }
0xa6: {  	[tilespmem:s15], [sflag:$0x4] =	stream.indirect.gather [hbm4b:s1+s13], $0x80, s29, s13, $0xb8;
	[tilespmem:$0x1C800] =	vst v63  }
0xa7: {  	_ = 	snop  }
0xa8: {  	[tilespmem:s16], [sflag:$0x5] =	stream.indirect.gather [hbm4b:s1+s13], $0x80, s30, s13, $0xb8;
	[tilespmem:$0x1C800] =	vst v63  }
0xa9: {  	p1 =	seq.s32 s7, $0x1300;
	s8 =	rddreg [dreg:$0x5]  }
0xaa: {  	[tilespmem:s17], [sflag:$0x6] =	stream.indirect.gather [hbm4b:s1+s13], $0x80, s31, s13, $0xb8;
	[tilespmem:$0x1C800] =	vst v63  }
0xab: {  	s7 =	sadd.s32 @!p1 s7, s8;
	s8 =	simm.s32 @!p1 $0x0  }
0xac: {  	[tilespmem:s8], [sflag:$0x1] =	stream.linear.gather @!p1 [hbm4b:s7+s8], $0x400, $0x38;
	[tilespmem:$0x1C800] =	vst v63  }
0xad: {  	_ =	swait.ge [sflag:s19], $0x2000  }
0xae: {  	[sflag:s19] =	ssyncset.done $0x0  }
0xaf: {  	[sflag:s19] =	ssyncadd.s32 $0xFFFFE000  }
0xb0: {  	[spmem:s4] =	stream.indirect.scatter.add.f32 [tilespmem:s14], [sflag:$0x7], $0x80, s0, s13, $0xb8;
	[tilespmem:$0x1C800] =	vst v63  }
0xb1: {  	_ =	swait.ge [sflag:s20], $0x2000  }
0xb2: {  	[sflag:s20] =	ssyncset.done $0x0  }
0xb3: {  	[sflag:s20] =	ssyncadd.s32 $0xFFFFE000  }
0xb4: {  	[spmem:s4] =	stream.indirect.scatter.add.f32 [tilespmem:s15], [sflag:$0x8], $0x80, s3, s13, $0xb8;
	[tilespmem:$0x1C800] =	vst v63  }
0xb5: {  	_ =	swait.ge [sflag:s21], $0x2000  }
0xb6: {  	[sflag:s21] =	ssyncset.done $0x0  }
0xb7: {  	[sflag:s21] =	ssyncadd.s32 $0xFFFFE000  }
0xb8: {  	[spmem:s4] =	stream.indirect.scatter.add.f32 [tilespmem:s16], [sflag:$0x9], $0x80, s2, s13, $0xb8;
	[tilespmem:$0x1C800] =	vst v63  }
0xb9: {  	_ =	swait.ge [sflag:s22], $0x2000  }
0xba: {  	[sflag:s22] =	ssyncset.done $0x0  }
0xbb: {  	[sflag:s22] =	ssyncadd.s32 $0xFFFFE000  }
0xbc: {  	[spmem:s4] =	stream.indirect.scatter.add.f32 [tilespmem:s17], [sflag:$0xA], $0x80, s6, s13, $0xb8;
	[tilespmem:$0x1C800] =	vst v63  }
0xbd: {  	_ =	swait.ge [sflag:s23], $0x2000  }
0xbe: {  	[sflag:s23] =	ssyncset.done $0x0  }
0xbf: {  	[sflag:s23] =	ssyncadd.s32 $0xFFFFE000  }
0xc0: {  	_ =	swait.ge [sflag:s24], $0x2000  }
0xc1: {  	s9 =	sadd.s32 $0x100, s9;
	[sflag:s24] =	ssyncset.done $0x0  }
0xc2: {  	p0 =	sne.s32 s9, $0x1400;
	[sflag:s24] =	ssyncadd.s32 $0xFFFFE000  }
.Ltmp0:
0xc3: {  	_ =	swait.ge [sflag:s25], $0x2000;
	(pc) =	sbr.rel @p0 .LBB2_2-.Ltmp0, $4  }
0xc4: {  	[sflag:s25] =	ssyncset.done $0x0  }
0xc5: {  	[sflag:s25] =	ssyncadd.s32 $0xFFFFE000  }
0xc6: {  	_ =	swait.ge [sflag:s26], $0x2000  }
0xc7: {  	[sflag:s26] =	ssyncset.done $0x0  }
0xc8: {  	[sflag:s26] =	ssyncadd.s32 $0xFFFFE000  }
0xc9: {  	[bflag:$0x0] =	sbarrier.arrive $0xFFFF  }
0xca: {  	s8 =	rddreg [dreg:$0xf]  }
0xcb: {  	s7 =	rddreg [dreg:$0x10]  }
0xcc: {  	s10 =	simm.s32 $0xB;
	s9 =	rddreg [dreg:$0x12]  }
0xcd: {  	[hbm:s7], [sflag:s8] =	dma.local [spmem:s9], $0x2800  }
0xce: {  	_ =	swait.ge [sflag:s10], $0x2800  }
0xcf: {  	s11 =	rddreg [dreg:$0x13]  }
0xd0: {  	s7 =	rddreg [dreg:$0x11];
	s11 =	sadd.s32 $0x1, s11  }
0xd1: {  	p0 =	sne.s32 s11, s7  }
.Ltmp1:
0xd2: {  	_ = 	snop;
	(pc) =	sbr.rel @p0 .LBB2_1-.Ltmp1, $3  }
0xd3: {  	_ =	sdelay $0x1  }
0xd4: {  	[sflag:s10] =	ssyncset.done $0x0  }
0xd5: {  	[sflag:s10] =	ssyncadd.s32 $0xFFFFD800  }
0xd6: {  	_ =	sfence.sel $0x180000  }
0xd7: {  	[bflag:$0x0] =	sbarrier.arrive $0xFFFF  }
0xd8: {  	_ =	strace $0x90000047  }
0xd9: {  	s0 =	stileid.u32;
	[bflag:$0x2] =	sbarrier.arrive $0xFFFF  }
0xda: {  	p0 =	sne.s32 s0, $0x0;
	s0 =	rddreg [dreg:$0x4]  }
0xdb: {  	s0 =	sadd.s32 @!p0 $0x100000, s0  }
0xdc: {  	[sflag:s0] =	ssyncadd.tile.s32 @!p0 $0x1;
	_ =	shalt  }
.Lfunc_end2:
_tile_overlayer_lowered:
.L_overlay_start_2:
0xdd: {  	(tag) =	ssettag $0x2  }
0xde: {  	s0 =	rddreg [dreg:$0x0];
	s2 =	stileid.u32  }
0xdf: {  	s1 =	rddreg [dreg:$0x1];
	p0 =	sne.s32 s2, $0x0  }
0xe0: {  	s3 =	rddreg [dreg:$0x2];
	[bflag:$0x3] =	sbarrier.arrive $0xFFFF;
	s2 =	simm.s32 @!p0 $0x1C0B  }
0xe1: {  	[timem:s3], [sflag:s2] =	dma.local @!p0 [hbm:s0], s1  }
0xe2: {  	s0 =	simm.s32 @!p0 $0xB  }
0xe3: {  	_ =	swait.ge @!p0 [sflag:s0], s1  }
0xe4: {  	s1 =	ssub.s32 @!p0 $0x0, s1;
	[sflag:s0] =	ssyncset.done @!p0 $0x0  }
0xe5: {  	[sflag:s0] =	ssyncadd.s32 @!p0 s1  }
0xe6: {  	[bflag:$0x3] =	sbarrier.arrive $0xFFFF  }
0xe7: {  	_ =	shalt  }

</sc_bundles>
